<compile_context>
chip_gen: v7x
topology: tpu7x:2x2x1
jax: 0.10.2.dev20260603
libtpu: 0.0.44.dev20260713+nightly
codegen_flags: <defaults>
</compile_context>

<pallas_src>
import dataclasses
import functools

import jax
import jax.numpy as jnp
from jax import lax
from jax.experimental import pallas as pl
from jax.experimental.pallas import tpu as pltpu
from jax.experimental.pallas import tpu_sc as plsc

NC = 2
NS = 16
NW = NC * NS
D = 32
PACK = 4
ROWW = PACK * D
CHUNK = 128
L = 16

_MESH = plsc.VectorSubcoreMesh(core_axis_name="c", subcore_axis_name="s")
_PARAMS = dataclasses.replace(
    pltpu.CompilerParams(), needs_layout_passes=False)


def _sc_mf(P4, Q4, ub, ib, u4, i4, um, im, uid, iid):
    B = uid.shape[0]
    b_per_w = B // NW
    n_ch = b_per_w // CHUNK
    n_grp = CHUNK // L

    @functools.partial(
        pl.kernel,
        mesh=_MESH,
        compiler_params=_PARAMS,
        out_type=jax.ShapeDtypeStruct((B,), jnp.float32),
        scratch_types=[
            pltpu.VMEM((b_per_w,), jnp.int32),
            pltpu.VMEM((b_per_w,), jnp.int32),
            pltpu.VMEM((b_per_w,), jnp.int32),
            pltpu.VMEM((b_per_w,), jnp.int32),
            pltpu.VMEM((b_per_w,), jnp.int32),
            pltpu.VMEM((b_per_w,), jnp.int32),
            pltpu.VMEM((b_per_w,), jnp.float32),
            pltpu.VMEM((b_per_w,), jnp.float32),
            pltpu.VMEM((b_per_w,), jnp.float32),
            pltpu.VMEM((CHUNK, ROWW), jnp.float32),
            pltpu.VMEM((CHUNK, ROWW), jnp.float32),
            pltpu.VMEM((CHUNK, ROWW), jnp.float32),
            pltpu.VMEM((CHUNK, ROWW), jnp.float32),
            pltpu.SemaphoreType.DMA,
            pltpu.SemaphoreType.DMA,
            pltpu.SemaphoreType.DMA,
        ],
    )
    def k(P_hbm, Q_hbm, ub_hbm, ib_hbm, u4_hbm, i4_hbm, um_hbm, im_hbm,
          uid_hbm, iid_hbm, out_hbm,
          u4_v, i4_v, um_v, im_v, uid_v, iid_v, bu_v, bi_v, out_v,
          dP0, dP1, dQ0, dQ1, semA0, semA1, semB):
        wid = lax.axis_index("s") * NC + lax.axis_index("c")
        base = wid * b_per_w
        sl_w = pl.ds(base, b_per_w)
        pltpu.sync_copy(u4_hbm.at[sl_w], u4_v)
        pltpu.sync_copy(i4_hbm.at[sl_w], i4_v)
        pltpu.sync_copy(um_hbm.at[sl_w], um_v)
        pltpu.sync_copy(im_hbm.at[sl_w], im_v)
        pltpu.sync_copy(uid_hbm.at[sl_w], uid_v)
        pltpu.sync_copy(iid_hbm.at[sl_w], iid_v)

        dP = (dP0, dP1)
        dQ = (dQ0, dQ1)
        semA = (semA0, semA1)

        bias_copies = []
        for c in range(n_ch):
            sl = pl.ds(c * CHUNK, CHUNK)
            bias_copies.append(
                pltpu.async_copy(ub_hbm.at[uid_v.at[sl]], bu_v.at[sl], semB))
            bias_copies.append(
                pltpu.async_copy(ib_hbm.at[iid_v.at[sl]], bi_v.at[sl], semB))

        def fire(c):
            sl = pl.ds(c * CHUNK, CHUNK)
            b = c % 2
            return (pltpu.async_copy(P_hbm.at[u4_v.at[sl]], dP[b], semA[b]),
                    pltpu.async_copy(Q_hbm.at[i4_v.at[sl]], dQ[b], semA[b]))

        pend = fire(0)
        for bc in bias_copies:
            bc.wait()

        for c in range(n_ch):
            nxt = fire(c + 1) if c + 1 < n_ch else None
            pend[0].wait()
            pend[1].wait()
            b = c % 2
            dPc, dQc = dP[b], dQ[b]

            @pl.loop(0, n_grp)
            def _(g):
                off = c * CHUNK + g * L
                jrow = lax.iota(jnp.int32, L) + g * L
                cbu = um_v[pl.ds(off, L)] * D
                cbi = im_v[pl.ds(off, L)] * D
                acc0 = bu_v[pl.ds(off, L)] + bi_v[pl.ds(off, L)]

                def body(d8, acc):
                    for t in range(4):
                        d = d8 * 4 + t
                        pc = plsc.load_gather(dPc, [jrow, cbu + d])
                        qc = plsc.load_gather(dQc, [jrow, cbi + d])
                        acc = acc + pc * qc
                    return acc

                out_v[pl.ds(off, L)] = lax.fori_loop(0, 8, body, acc0)

            pend = nxt

        pltpu.sync_copy(out_v, out_hbm.at[sl_w])

    return k(P4, Q4, ub, ib, u4, i4, um, im, uid, iid)


def _prep_body(uid_ref, iid_ref, u4_ref, i4_ref, um_ref, im_ref):
    u = uid_ref[...]
    i = iid_ref[...]
    u4_ref[...] = u >> 2
    i4_ref[...] = i >> 2
    um_ref[...] = u & 3
    im_ref[...] = i & 3


def _tc_prep(uid, iid):
    st = jax.ShapeDtypeStruct(uid.shape, jnp.int32)
    return pl.pallas_call(_prep_body, out_shape=(st, st, st, st))(uid, iid)


def kernel(user_id, item_id, P, Q, user_bias, item_bias):
    P4 = P.reshape(P.shape[0] // PACK, ROWW)
    Q4 = Q.reshape(Q.shape[0] // PACK, ROWW)
    ub = user_bias.reshape(-1)
    ib = item_bias.reshape(-1)
    u4, i4, um, im = _tc_prep(user_id, item_id)
    return _sc_mf(P4, Q4, ub, ib, u4, i4, um, im, user_id, item_id)

# --- scband reference (transcript-rebuilt; emitter-appended) ---
"""Pipeline reference for scband-mf-49452253446809 (READ-ONLY COPY).

The authoritative reference and input builder live on the scoring server;
editing this copy changes nothing except your own understanding.
"""

import jax, jax.numpy as jnp
import numpy as np

NUM_FACTORS = 32
NUM_USERS = 1000000
NUM_ITEMS = 1000000
BATCH = 16384


def setup_inputs(seed: int = 0) -> dict:
    key = jax.random.key(seed)
    k1, k2, k3, k4, k5, k6 = jax.random.split(key, 6)
    user_id = jax.random.randint(k1, (BATCH,), 0, NUM_USERS, dtype=jnp.int64 if jax.config.jax_enable_x64 else jnp.int32).astype(jnp.int32)
    item_id = jax.random.randint(k2, (BATCH,), 0, NUM_ITEMS, dtype=jnp.int64 if jax.config.jax_enable_x64 else jnp.int32).astype(jnp.int32)
    P = jax.random.normal(k3, (NUM_USERS, NUM_FACTORS), dtype=jnp.float32)
    Q = jax.random.normal(k4, (NUM_ITEMS, NUM_FACTORS), dtype=jnp.float32)
    user_bias = jax.random.normal(k5, (NUM_USERS, 1), dtype=jnp.float32)
    item_bias = jax.random.normal(k6, (NUM_ITEMS, 1), dtype=jnp.float32)
    return {"user_id": user_id, "item_id": item_id, "P": P, "Q": Q, "user_bias": user_bias, "item_bias": item_bias}


def reference(user_id, item_id, P, Q, user_bias, item_bias):
    P_u = jnp.take(P, user_id, axis=0)
    Q_i = jnp.take(Q, item_id, axis=0)
    b_u = jnp.take(user_bias, user_id, axis=0)
    b_i = jnp.take(item_bias, item_id, axis=0)
    outputs = (P_u * Q_i).sum(axis=1) + jnp.squeeze(b_u, axis=-1) + jnp.squeeze(b_i, axis=-1)
    return outputs

if __name__ == "__main__":
    import jax
    _d = setup_inputs()
    print(jax.jit(kernel)(*tuple(_d.values())))

</pallas_src>

<mosaic_0001>
#map = affine_map<(d0, d1) -> (0, 0)>
#map1 = affine_map<(d0, d1) -> (0)>
module attributes {stable_mosaic.version = 14 : i64} {
  func.func @k(%arg0: i32, %arg1: i32, %arg2: memref<250000x128xf32, #tpu.memory_space<hbm>>, %arg3: memref<250000x128xf32, #tpu.memory_space<hbm>>, %arg4: memref<1000000xf32, #tpu.memory_space<hbm>>, %arg5: memref<1000000xf32, #tpu.memory_space<hbm>>, %arg6: memref<16384xi32, #tpu.memory_space<hbm>>, %arg7: memref<16384xi32, #tpu.memory_space<hbm>>, %arg8: memref<16384xi32, #tpu.memory_space<hbm>>, %arg9: memref<16384xi32, #tpu.memory_space<hbm>>, %arg10: memref<16384xi32, #tpu.memory_space<hbm>>, %arg11: memref<16384xi32, #tpu.memory_space<hbm>>, %arg12: memref<16384xf32, #tpu.memory_space<hbm>>, %arg13: memref<512xi32, #tpu.memory_space<vmem>>, %arg14: memref<512xi32, #tpu.memory_space<vmem>>, %arg15: memref<512xi32, #tpu.memory_space<vmem>>, %arg16: memref<512xi32, #tpu.memory_space<vmem>>, %arg17: memref<512xi32, #tpu.memory_space<vmem>>, %arg18: memref<512xi32, #tpu.memory_space<vmem>>, %arg19: memref<512xf32, #tpu.memory_space<vmem>>, %arg20: memref<512xf32, #tpu.memory_space<vmem>>, %arg21: memref<512xf32, #tpu.memory_space<vmem>>, %arg22: memref<128x128xf32, #tpu.memory_space<vmem>>, %arg23: memref<128x128xf32, #tpu.memory_space<vmem>>, %arg24: memref<128x128xf32, #tpu.memory_space<vmem>>, %arg25: memref<128x128xf32, #tpu.memory_space<vmem>>, %arg26: memref<!tpu.dma_semaphore, #tpu.memory_space<semaphore_mem>>, %arg27: memref<!tpu.dma_semaphore, #tpu.memory_space<semaphore_mem>>, %arg28: memref<!tpu.dma_semaphore, #tpu.memory_space<semaphore_mem>>) attributes {dimension_semantics = [#tpu.dimension_semantics<core_parallel>, #tpu.dimension_semantics<subcore_parallel>], iteration_bounds = array<i64: 2, 16>, scalar_prefetch = 0 : i64, scratch_operands = 16 : i64, tpu.core_type = #tpu.core_type<sc_vector_subcore>, window_params = [{transform_indices = #map}, {transform_indices = #map}, {transform_indices = #map1}, {transform_indices = #map1}, {transform_indices = #map1}, {transform_indices = #map1}, {transform_indices = #map1}, {transform_indices = #map1}, {transform_indices = #map1}, {transform_indices = #map1}, {transform_indices = #map1}]} {
    %mul3A = arith.constant 2 : i32
    %mul3A_0 = arith.muli %arg1, %mul3A : i32
    %add3A = arith.addi %mul3A_0, %arg0 : i32
    %mul3A_1 = arith.constant 512 : i32
    %mul3A_2 = arith.muli %add3A, %mul3A_1 : i32
    "tpu.region"() ({
      %run_scoped3A = tpu.sem_alloc : memref<!tpu.dma_semaphore, #tpu.memory_space<semaphore_mem>>
      %dma_start3A_196 = tpu.memref_slice %arg6[%mul3A_2] : memref<16384xi32, #tpu.memory_space<hbm>> -> memref<512xi32, #tpu.memory_space<hbm>>
      %dma_start3A_197 = tpu.memref_slice %arg6[%mul3A_2] : memref<16384xi32, #tpu.memory_space<hbm>> -> memref<512xi32, #tpu.memory_space<hbm>>
      tpu.enqueue_dma source(%dma_start3A_197 : memref<512xi32, #tpu.memory_space<hbm>>) target(%arg13 : memref<512xi32, #tpu.memory_space<vmem>>) target_semaphore(%run_scoped3A : memref<!tpu.dma_semaphore, #tpu.memory_space<semaphore_mem>>)
      %dma_wait3A_198 = tpu.memref_slice %arg6[%mul3A_2] : memref<16384xi32, #tpu.memory_space<hbm>> -> memref<512xi32, #tpu.memory_space<hbm>>
      %dma_wait3A_199 = tpu.memref_slice %arg6[%mul3A_2] : memref<16384xi32, #tpu.memory_space<hbm>> -> memref<512xi32, #tpu.memory_space<hbm>>
      tpu.wait_dma2 semaphore(%run_scoped3A : memref<!tpu.dma_semaphore, #tpu.memory_space<semaphore_mem>>) src(%dma_wait3A_199 : memref<512xi32, #tpu.memory_space<hbm>>) dst(%arg13 : memref<512xi32, #tpu.memory_space<vmem>>)
      tpu.yield
    }) : () -> ()
    "tpu.region"() ({
      %run_scoped3A = tpu.sem_alloc : memref<!tpu.dma_semaphore, #tpu.memory_space<semaphore_mem>>
      %dma_start3A_196 = tpu.memref_slice %arg7[%mul3A_2] : memref<16384xi32, #tpu.memory_space<hbm>> -> memref<512xi32, #tpu.memory_space<hbm>>
      %dma_start3A_197 = tpu.memref_slice %arg7[%mul3A_2] : memref<16384xi32, #tpu.memory_space<hbm>> -> memref<512xi32, #tpu.memory_space<hbm>>
      tpu.enqueue_dma source(%dma_start3A_197 : memref<512xi32, #tpu.memory_space<hbm>>) target(%arg14 : memref<512xi32, #tpu.memory_space<vmem>>) target_semaphore(%run_scoped3A : memref<!tpu.dma_semaphore, #tpu.memory_space<semaphore_mem>>)
      %dma_wait3A_198 = tpu.memref_slice %arg7[%mul3A_2] : memref<16384xi32, #tpu.memory_space<hbm>> -> memref<512xi32, #tpu.memory_space<hbm>>
      %dma_wait3A_199 = tpu.memref_slice %arg7[%mul3A_2] : memref<16384xi32, #tpu.memory_space<hbm>> -> memref<512xi32, #tpu.memory_space<hbm>>
      tpu.wait_dma2 semaphore(%run_scoped3A : memref<!tpu.dma_semaphore, #tpu.memory_space<semaphore_mem>>) src(%dma_wait3A_199 : memref<512xi32, #tpu.memory_space<hbm>>) dst(%arg14 : memref<512xi32, #tpu.memory_space<vmem>>)
      tpu.yield
    }) : () -> ()
    "tpu.region"() ({
      %run_scoped3A = tpu.sem_alloc : memref<!tpu.dma_semaphore, #tpu.memory_space<semaphore_mem>>
      %dma_start3A_196 = tpu.memref_slice %arg8[%mul3A_2] : memref<16384xi32, #tpu.memory_space<hbm>> -> memref<512xi32, #tpu.memory_space<hbm>>
      %dma_start3A_197 = tpu.memref_slice %arg8[%mul3A_2] : memref<16384xi32, #tpu.memory_space<hbm>> -> memref<512xi32, #tpu.memory_space<hbm>>
      tpu.enqueue_dma source(%dma_start3A_197 : memref<512xi32, #tpu.memory_space<hbm>>) target(%arg15 : memref<512xi32, #tpu.memory_space<vmem>>) target_semaphore(%run_scoped3A : memref<!tpu.dma_semaphore, #tpu.memory_space<semaphore_mem>>)
      %dma_wait3A_198 = tpu.memref_slice %arg8[%mul3A_2] : memref<16384xi32, #tpu.memory_space<hbm>> -> memref<512xi32, #tpu.memory_space<hbm>>
      %dma_wait3A_199 = tpu.memref_slice %arg8[%mul3A_2] : memref<16384xi32, #tpu.memory_space<hbm>> -> memref<512xi32, #tpu.memory_space<hbm>>
      tpu.wait_dma2 semaphore(%run_scoped3A : memref<!tpu.dma_semaphore, #tpu.memory_space<semaphore_mem>>) src(%dma_wait3A_199 : memref<512xi32, #tpu.memory_space<hbm>>) dst(%arg15 : memref<512xi32, #tpu.memory_space<vmem>>)
      tpu.yield
    }) : () -> ()
    "tpu.region"() ({
      %run_scoped3A = tpu.sem_alloc : memref<!tpu.dma_semaphore, #tpu.memory_space<semaphore_mem>>
      %dma_start3A_196 = tpu.memref_slice %arg9[%mul3A_2] : memref<16384xi32, #tpu.memory_space<hbm>> -> memref<512xi32, #tpu.memory_space<hbm>>
      %dma_start3A_197 = tpu.memref_slice %arg9[%mul3A_2] : memref<16384xi32, #tpu.memory_space<hbm>> -> memref<512xi32, #tpu.memory_space<hbm>>
      tpu.enqueue_dma source(%dma_start3A_197 : memref<512xi32, #tpu.memory_space<hbm>>) target(%arg16 : memref<512xi32, #tpu.memory_space<vmem>>) target_semaphore(%run_scoped3A : memref<!tpu.dma_semaphore, #tpu.memory_space<semaphore_mem>>)
      %dma_wait3A_198 = tpu.memref_slice %arg9[%mul3A_2] : memref<16384xi32, #tpu.memory_space<hbm>> -> memref<512xi32, #tpu.memory_space<hbm>>
      %dma_wait3A_199 = tpu.memref_slice %arg9[%mul3A_2] : memref<16384xi32, #tpu.memory_space<hbm>> -> memref<512xi32, #tpu.memory_space<hbm>>
      tpu.wait_dma2 semaphore(%run_scoped3A : memref<!tpu.dma_semaphore, #tpu.memory_space<semaphore_mem>>) src(%dma_wait3A_199 : memref<512xi32, #tpu.memory_space<hbm>>) dst(%arg16 : memref<512xi32, #tpu.memory_space<vmem>>)
      tpu.yield
    }) : () -> ()
    "tpu.region"() ({
      %run_scoped3A = tpu.sem_alloc : memref<!tpu.dma_semaphore, #tpu.memory_space<semaphore_mem>>
      %dma_start3A_196 = tpu.memref_slice %arg10[%mul3A_2] : memref<16384xi32, #tpu.memory_space<hbm>> -> memref<512xi32, #tpu.memory_space<hbm>>
      %dma_start3A_197 = tpu.memref_slice %arg10[%mul3A_2] : memref<16384xi32, #tpu.memory_space<hbm>> -> memref<512xi32, #tpu.memory_space<hbm>>
      tpu.enqueue_dma source(%dma_start3A_197 : memref<512xi32, #tpu.memory_space<hbm>>) target(%arg17 : memref<512xi32, #tpu.memory_space<vmem>>) target_semaphore(%run_scoped3A : memref<!tpu.dma_semaphore, #tpu.memory_space<semaphore_mem>>)
      %dma_wait3A_198 = tpu.memref_slice %arg10[%mul3A_2] : memref<16384xi32, #tpu.memory_space<hbm>> -> memref<512xi32, #tpu.memory_space<hbm>>
      %dma_wait3A_199 = tpu.memref_slice %arg10[%mul3A_2] : memref<16384xi32, #tpu.memory_space<hbm>> -> memref<512xi32, #tpu.memory_space<hbm>>
      tpu.wait_dma2 semaphore(%run_scoped3A : memref<!tpu.dma_semaphore, #tpu.memory_space<semaphore_mem>>) src(%dma_wait3A_199 : memref<512xi32, #tpu.memory_space<hbm>>) dst(%arg17 : memref<512xi32, #tpu.memory_space<vmem>>)
      tpu.yield
    }) : () -> ()
    "tpu.region"() ({
      %run_scoped3A = tpu.sem_alloc : memref<!tpu.dma_semaphore, #tpu.memory_space<semaphore_mem>>
      %dma_start3A_196 = tpu.memref_slice %arg11[%mul3A_2] : memref<16384xi32, #tpu.memory_space<hbm>> -> memref<512xi32, #tpu.memory_space<hbm>>
      %dma_start3A_197 = tpu.memref_slice %arg11[%mul3A_2] : memref<16384xi32, #tpu.memory_space<hbm>> -> memref<512xi32, #tpu.memory_space<hbm>>
      tpu.enqueue_dma source(%dma_start3A_197 : memref<512xi32, #tpu.memory_space<hbm>>) target(%arg18 : memref<512xi32, #tpu.memory_space<vmem>>) target_semaphore(%run_scoped3A : memref<!tpu.dma_semaphore, #tpu.memory_space<semaphore_mem>>)
      %dma_wait3A_198 = tpu.memref_slice %arg11[%mul3A_2] : memref<16384xi32, #tpu.memory_space<hbm>> -> memref<512xi32, #tpu.memory_space<hbm>>
      %dma_wait3A_199 = tpu.memref_slice %arg11[%mul3A_2] : memref<16384xi32, #tpu.memory_space<hbm>> -> memref<512xi32, #tpu.memory_space<hbm>>
      tpu.wait_dma2 semaphore(%run_scoped3A : memref<!tpu.dma_semaphore, #tpu.memory_space<semaphore_mem>>) src(%dma_wait3A_199 : memref<512xi32, #tpu.memory_space<hbm>>) dst(%arg18 : memref<512xi32, #tpu.memory_space<vmem>>)
      tpu.yield
    }) : () -> ()
    %dma_start3A = arith.constant 0 : i32
    %dma_start3A_3 = tpu.memref_slice %arg19[%dma_start3A] : memref<512xf32, #tpu.memory_space<vmem>> -> memref<128xf32, #tpu.memory_space<vmem>>
    %dma_start3A_4 = arith.constant 0 : i32
    %dma_start3A_5 = tpu.memref_slice %arg17[%dma_start3A_4] : memref<512xi32, #tpu.memory_space<vmem>> -> memref<128xi32, #tpu.memory_space<vmem>>
    %dma_start3A_6 = arith.constant 0 : i32
    %dma_start3A_7 = tpu.memref_slice %arg4[%dma_start3A_6] : memref<1000000xf32, #tpu.memory_space<hbm>> -> memref<1000000xf32, #tpu.memory_space<hbm>>
    tpu.enqueue_indirect_dma source(%dma_start3A_7 : memref<1000000xf32, #tpu.memory_space<hbm>>) target(%dma_start3A_3 : memref<128xf32, #tpu.memory_space<vmem>>) offsets(%dma_start3A_5 : memref<128xi32, #tpu.memory_space<vmem>>) semaphore(%arg28 : memref<!tpu.dma_semaphore, #tpu.memory_space<semaphore_mem>>)
    %dma_start3A_8 = arith.constant 0 : i32
    %dma_start3A_9 = tpu.memref_slice %arg20[%dma_start3A_8] : memref<512xf32, #tpu.memory_space<vmem>> -> memref<128xf32, #tpu.memory_space<vmem>>
    %dma_start3A_10 = arith.constant 0 : i32
    %dma_start3A_11 = tpu.memref_slice %arg18[%dma_start3A_10] : memref<512xi32, #tpu.memory_space<vmem>> -> memref<128xi32, #tpu.memory_space<vmem>>
    %dma_start3A_12 = arith.constant 0 : i32
    %dma_start3A_13 = tpu.memref_slice %arg5[%dma_start3A_12] : memref<1000000xf32, #tpu.memory_space<hbm>> -> memref<1000000xf32, #tpu.memory_space<hbm>>
    tpu.enqueue_indirect_dma source(%dma_start3A_13 : memref<1000000xf32, #tpu.memory_space<hbm>>) target(%dma_start3A_9 : memref<128xf32, #tpu.memory_space<vmem>>) offsets(%dma_start3A_11 : memref<128xi32, #tpu.memory_space<vmem>>) semaphore(%arg28 : memref<!tpu.dma_semaphore, #tpu.memory_space<semaphore_mem>>)
    %dma_start3A_14 = arith.constant 128 : i32
    %dma_start3A_15 = tpu.memref_slice %arg19[%dma_start3A_14] : memref<512xf32, #tpu.memory_space<vmem>> -> memref<128xf32, #tpu.memory_space<vmem>>
    %dma_start3A_16 = arith.constant 128 : i32
    %dma_start3A_17 = tpu.memref_slice %arg17[%dma_start3A_16] : memref<512xi32, #tpu.memory_space<vmem>> -> memref<128xi32, #tpu.memory_space<vmem>>
    %dma_start3A_18 = arith.constant 0 : i32
    %dma_start3A_19 = tpu.memref_slice %arg4[%dma_start3A_18] : memref<1000000xf32, #tpu.memory_space<hbm>> -> memref<1000000xf32, #tpu.memory_space<hbm>>
    tpu.enqueue_indirect_dma source(%dma_start3A_19 : memref<1000000xf32, #tpu.memory_space<hbm>>) target(%dma_start3A_15 : memref<128xf32, #tpu.memory_space<vmem>>) offsets(%dma_start3A_17 : memref<128xi32, #tpu.memory_space<vmem>>) semaphore(%arg28 : memref<!tpu.dma_semaphore, #tpu.memory_space<semaphore_mem>>)
    %dma_start3A_20 = arith.constant 128 : i32
    %dma_start3A_21 = tpu.memref_slice %arg20[%dma_start3A_20] : memref<512xf32, #tpu.memory_space<vmem>> -> memref<128xf32, #tpu.memory_space<vmem>>
    %dma_start3A_22 = arith.constant 128 : i32
    %dma_start3A_23 = tpu.memref_slice %arg18[%dma_start3A_22] : memref<512xi32, #tpu.memory_space<vmem>> -> memref<128xi32, #tpu.memory_space<vmem>>
    %dma_start3A_24 = arith.constant 0 : i32
    %dma_start3A_25 = tpu.memref_slice %arg5[%dma_start3A_24] : memref<1000000xf32, #tpu.memory_space<hbm>> -> memref<1000000xf32, #tpu.memory_space<hbm>>
    tpu.enqueue_indirect_dma source(%dma_start3A_25 : memref<1000000xf32, #tpu.memory_space<hbm>>) target(%dma_start3A_21 : memref<128xf32, #tpu.memory_space<vmem>>) offsets(%dma_start3A_23 : memref<128xi32, #tpu.memory_space<vmem>>) semaphore(%arg28 : memref<!tpu.dma_semaphore, #tpu.memory_space<semaphore_mem>>)
    %dma_start3A_26 = arith.constant 256 : i32
    %dma_start3A_27 = tpu.memref_slice %arg19[%dma_start3A_26] : memref<512xf32, #tpu.memory_space<vmem>> -> memref<128xf32, #tpu.memory_space<vmem>>
    %dma_start3A_28 = arith.constant 256 : i32
    %dma_start3A_29 = tpu.memref_slice %arg17[%dma_start3A_28] : memref<512xi32, #tpu.memory_space<vmem>> -> memref<128xi32, #tpu.memory_space<vmem>>
    %dma_start3A_30 = arith.constant 0 : i32
    %dma_start3A_31 = tpu.memref_slice %arg4[%dma_start3A_30] : memref<1000000xf32, #tpu.memory_space<hbm>> -> memref<1000000xf32, #tpu.memory_space<hbm>>
    tpu.enqueue_indirect_dma source(%dma_start3A_31 : memref<1000000xf32, #tpu.memory_space<hbm>>) target(%dma_start3A_27 : memref<128xf32, #tpu.memory_space<vmem>>) offsets(%dma_start3A_29 : memref<128xi32, #tpu.memory_space<vmem>>) semaphore(%arg28 : memref<!tpu.dma_semaphore, #tpu.memory_space<semaphore_mem>>)
    %dma_start3A_32 = arith.constant 256 : i32
    %dma_start3A_33 = tpu.memref_slice %arg20[%dma_start3A_32] : memref<512xf32, #tpu.memory_space<vmem>> -> memref<128xf32, #tpu.memory_space<vmem>>
    %dma_start3A_34 = arith.constant 256 : i32
    %dma_start3A_35 = tpu.memref_slice %arg18[%dma_start3A_34] : memref<512xi32, #tpu.memory_space<vmem>> -> memref<128xi32, #tpu.memory_space<vmem>>
    %dma_start3A_36 = arith.constant 0 : i32
    %dma_start3A_37 = tpu.memref_slice %arg5[%dma_start3A_36] : memref<1000000xf32, #tpu.memory_space<hbm>> -> memref<1000000xf32, #tpu.memory_space<hbm>>
    tpu.enqueue_indirect_dma source(%dma_start3A_37 : memref<1000000xf32, #tpu.memory_space<hbm>>) target(%dma_start3A_33 : memref<128xf32, #tpu.memory_space<vmem>>) offsets(%dma_start3A_35 : memref<128xi32, #tpu.memory_space<vmem>>) semaphore(%arg28 : memref<!tpu.dma_semaphore, #tpu.memory_space<semaphore_mem>>)
    %dma_start3A_38 = arith.constant 384 : i32
    %dma_start3A_39 = tpu.memref_slice %arg19[%dma_start3A_38] : memref<512xf32, #tpu.memory_space<vmem>> -> memref<128xf32, #tpu.memory_space<vmem>>
    %dma_start3A_40 = arith.constant 384 : i32
    %dma_start3A_41 = tpu.memref_slice %arg17[%dma_start3A_40] : memref<512xi32, #tpu.memory_space<vmem>> -> memref<128xi32, #tpu.memory_space<vmem>>
    %dma_start3A_42 = arith.constant 0 : i32
    %dma_start3A_43 = tpu.memref_slice %arg4[%dma_start3A_42] : memref<1000000xf32, #tpu.memory_space<hbm>> -> memref<1000000xf32, #tpu.memory_space<hbm>>
    tpu.enqueue_indirect_dma source(%dma_start3A_43 : memref<1000000xf32, #tpu.memory_space<hbm>>) target(%dma_start3A_39 : memref<128xf32, #tpu.memory_space<vmem>>) offsets(%dma_start3A_41 : memref<128xi32, #tpu.memory_space<vmem>>) semaphore(%arg28 : memref<!tpu.dma_semaphore, #tpu.memory_space<semaphore_mem>>)
    %dma_start3A_44 = arith.constant 384 : i32
    %dma_start3A_45 = tpu.memref_slice %arg20[%dma_start3A_44] : memref<512xf32, #tpu.memory_space<vmem>> -> memref<128xf32, #tpu.memory_space<vmem>>
    %dma_start3A_46 = arith.constant 384 : i32
    %dma_start3A_47 = tpu.memref_slice %arg18[%dma_start3A_46] : memref<512xi32, #tpu.memory_space<vmem>> -> memref<128xi32, #tpu.memory_space<vmem>>
    %dma_start3A_48 = arith.constant 0 : i32
    %dma_start3A_49 = tpu.memref_slice %arg5[%dma_start3A_48] : memref<1000000xf32, #tpu.memory_space<hbm>> -> memref<1000000xf32, #tpu.memory_space<hbm>>
    tpu.enqueue_indirect_dma source(%dma_start3A_49 : memref<1000000xf32, #tpu.memory_space<hbm>>) target(%dma_start3A_45 : memref<128xf32, #tpu.memory_space<vmem>>) offsets(%dma_start3A_47 : memref<128xi32, #tpu.memory_space<vmem>>) semaphore(%arg28 : memref<!tpu.dma_semaphore, #tpu.memory_space<semaphore_mem>>)
    %dma_start3A_50 = arith.constant 0 : i32
    %dma_start3A_51 = tpu.memref_slice %arg13[%dma_start3A_50] : memref<512xi32, #tpu.memory_space<vmem>> -> memref<128xi32, #tpu.memory_space<vmem>>
    %dma_start3A_52 = arith.constant 0 : i32
    %dma_start3A_53 = arith.constant 0 : i32
    %dma_start3A_54 = tpu.memref_slice %arg2[%dma_start3A_52, %dma_start3A_53] : memref<250000x128xf32, #tpu.memory_space<hbm>> -> memref<250000x128xf32, #tpu.memory_space<hbm>>
    tpu.enqueue_indirect_dma source(%dma_start3A_54 : memref<250000x128xf32, #tpu.memory_space<hbm>>) target(%arg22 : memref<128x128xf32, #tpu.memory_space<vmem>>) offsets(%dma_start3A_51 : memref<128xi32, #tpu.memory_space<vmem>>) semaphore(%arg26 : memref<!tpu.dma_semaphore, #tpu.memory_space<semaphore_mem>>)
    %dma_start3A_55 = arith.constant 0 : i32
    %dma_start3A_56 = tpu.memref_slice %arg14[%dma_start3A_55] : memref<512xi32, #tpu.memory_space<vmem>> -> memref<128xi32, #tpu.memory_space<vmem>>
    %dma_start3A_57 = arith.constant 0 : i32
    %dma_start3A_58 = arith.constant 0 : i32
    %dma_start3A_59 = tpu.memref_slice %arg3[%dma_start3A_57, %dma_start3A_58] : memref<250000x128xf32, #tpu.memory_space<hbm>> -> memref<250000x128xf32, #tpu.memory_space<hbm>>
    tpu.enqueue_indirect_dma source(%dma_start3A_59 : memref<250000x128xf32, #tpu.memory_space<hbm>>) target(%arg24 : memref<128x128xf32, #tpu.memory_space<vmem>>) offsets(%dma_start3A_56 : memref<128xi32, #tpu.memory_space<vmem>>) semaphore(%arg26 : memref<!tpu.dma_semaphore, #tpu.memory_space<semaphore_mem>>)
    %dma_wait3A = arith.constant 0 : i32
    %dma_wait3A_60 = tpu.memref_slice %arg19[%dma_wait3A] : memref<512xf32, #tpu.memory_space<vmem>> -> memref<128xf32, #tpu.memory_space<vmem>>
    %dma_wait3A_61 = arith.constant 0 : i32
    %dma_wait3A_62 = tpu.memref_slice %arg17[%dma_wait3A_61] : memref<512xi32, #tpu.memory_space<vmem>> -> memref<128xi32, #tpu.memory_space<vmem>>
    %dma_wait3A_63 = arith.constant 0 : i32
    %dma_wait3A_64 = tpu.memref_slice %arg4[%dma_wait3A_63] : memref<1000000xf32, #tpu.memory_space<hbm>> -> memref<1000000xf32, #tpu.memory_space<hbm>>
    tpu.wait_indirect_dma semaphore(%arg28 : memref<!tpu.dma_semaphore, #tpu.memory_space<semaphore_mem>>) src(%dma_wait3A_64 : memref<1000000xf32, #tpu.memory_space<hbm>>) dst(%dma_wait3A_60 : memref<128xf32, #tpu.memory_space<vmem>>)
    %dma_wait3A_65 = arith.constant 0 : i32
    %dma_wait3A_66 = tpu.memref_slice %arg20[%dma_wait3A_65] : memref<512xf32, #tpu.memory_space<vmem>> -> memref<128xf32, #tpu.memory_space<vmem>>
    %dma_wait3A_67 = arith.constant 0 : i32
    %dma_wait3A_68 = tpu.memref_slice %arg18[%dma_wait3A_67] : memref<512xi32, #tpu.memory_space<vmem>> -> memref<128xi32, #tpu.memory_space<vmem>>
    %dma_wait3A_69 = arith.constant 0 : i32
    %dma_wait3A_70 = tpu.memref_slice %arg5[%dma_wait3A_69] : memref<1000000xf32, #tpu.memory_space<hbm>> -> memref<1000000xf32, #tpu.memory_space<hbm>>
    tpu.wait_indirect_dma semaphore(%arg28 : memref<!tpu.dma_semaphore, #tpu.memory_space<semaphore_mem>>) src(%dma_wait3A_70 : memref<1000000xf32, #tpu.memory_space<hbm>>) dst(%dma_wait3A_66 : memref<128xf32, #tpu.memory_space<vmem>>)
    %dma_wait3A_71 = arith.constant 128 : i32
    %dma_wait3A_72 = tpu.memref_slice %arg19[%dma_wait3A_71] : memref<512xf32, #tpu.memory_space<vmem>> -> memref<128xf32, #tpu.memory_space<vmem>>
    %dma_wait3A_73 = arith.constant 128 : i32
    %dma_wait3A_74 = tpu.memref_slice %arg17[%dma_wait3A_73] : memref<512xi32, #tpu.memory_space<vmem>> -> memref<128xi32, #tpu.memory_space<vmem>>
    %dma_wait3A_75 = arith.constant 0 : i32
    %dma_wait3A_76 = tpu.memref_slice %arg4[%dma_wait3A_75] : memref<1000000xf32, #tpu.memory_space<hbm>> -> memref<1000000xf32, #tpu.memory_space<hbm>>
    tpu.wait_indirect_dma semaphore(%arg28 : memref<!tpu.dma_semaphore, #tpu.memory_space<semaphore_mem>>) src(%dma_wait3A_76 : memref<1000000xf32, #tpu.memory_space<hbm>>) dst(%dma_wait3A_72 : memref<128xf32, #tpu.memory_space<vmem>>)
    %dma_wait3A_77 = arith.constant 128 : i32
    %dma_wait3A_78 = tpu.memref_slice %arg20[%dma_wait3A_77] : memref<512xf32, #tpu.memory_space<vmem>> -> memref<128xf32, #tpu.memory_space<vmem>>
    %dma_wait3A_79 = arith.constant 128 : i32
    %dma_wait3A_80 = tpu.memref_slice %arg18[%dma_wait3A_79] : memref<512xi32, #tpu.memory_space<vmem>> -> memref<128xi32, #tpu.memory_space<vmem>>
    %dma_wait3A_81 = arith.constant 0 : i32
    %dma_wait3A_82 = tpu.memref_slice %arg5[%dma_wait3A_81] : memref<1000000xf32, #tpu.memory_space<hbm>> -> memref<1000000xf32, #tpu.memory_space<hbm>>
    tpu.wait_indirect_dma semaphore(%arg28 : memref<!tpu.dma_semaphore, #tpu.memory_space<semaphore_mem>>) src(%dma_wait3A_82 : memref<1000000xf32, #tpu.memory_space<hbm>>) dst(%dma_wait3A_78 : memref<128xf32, #tpu.memory_space<vmem>>)
    %dma_wait3A_83 = arith.constant 256 : i32
    %dma_wait3A_84 = tpu.memref_slice %arg19[%dma_wait3A_83] : memref<512xf32, #tpu.memory_space<vmem>> -> memref<128xf32, #tpu.memory_space<vmem>>
    %dma_wait3A_85 = arith.constant 256 : i32
    %dma_wait3A_86 = tpu.memref_slice %arg17[%dma_wait3A_85] : memref<512xi32, #tpu.memory_space<vmem>> -> memref<128xi32, #tpu.memory_space<vmem>>
    %dma_wait3A_87 = arith.constant 0 : i32
    %dma_wait3A_88 = tpu.memref_slice %arg4[%dma_wait3A_87] : memref<1000000xf32, #tpu.memory_space<hbm>> -> memref<1000000xf32, #tpu.memory_space<hbm>>
    tpu.wait_indirect_dma semaphore(%arg28 : memref<!tpu.dma_semaphore, #tpu.memory_space<semaphore_mem>>) src(%dma_wait3A_88 : memref<1000000xf32, #tpu.memory_space<hbm>>) dst(%dma_wait3A_84 : memref<128xf32, #tpu.memory_space<vmem>>)
    %dma_wait3A_89 = arith.constant 256 : i32
    %dma_wait3A_90 = tpu.memref_slice %arg20[%dma_wait3A_89] : memref<512xf32, #tpu.memory_space<vmem>> -> memref<128xf32, #tpu.memory_space<vmem>>
    %dma_wait3A_91 = arith.constant 256 : i32
    %dma_wait3A_92 = tpu.memref_slice %arg18[%dma_wait3A_91] : memref<512xi32, #tpu.memory_space<vmem>> -> memref<128xi32, #tpu.memory_space<vmem>>
    %dma_wait3A_93 = arith.constant 0 : i32
    %dma_wait3A_94 = tpu.memref_slice %arg5[%dma_wait3A_93] : memref<1000000xf32, #tpu.memory_space<hbm>> -> memref<1000000xf32, #tpu.memory_space<hbm>>
    tpu.wait_indirect_dma semaphore(%arg28 : memref<!tpu.dma_semaphore, #tpu.memory_space<semaphore_mem>>) src(%dma_wait3A_94 : memref<1000000xf32, #tpu.memory_space<hbm>>) dst(%dma_wait3A_90 : memref<128xf32, #tpu.memory_space<vmem>>)
    %dma_wait3A_95 = arith.constant 384 : i32
    %dma_wait3A_96 = tpu.memref_slice %arg19[%dma_wait3A_95] : memref<512xf32, #tpu.memory_space<vmem>> -> memref<128xf32, #tpu.memory_space<vmem>>
    %dma_wait3A_97 = arith.constant 384 : i32
    %dma_wait3A_98 = tpu.memref_slice %arg17[%dma_wait3A_97] : memref<512xi32, #tpu.memory_space<vmem>> -> memref<128xi32, #tpu.memory_space<vmem>>
    %dma_wait3A_99 = arith.constant 0 : i32
    %dma_wait3A_100 = tpu.memref_slice %arg4[%dma_wait3A_99] : memref<1000000xf32, #tpu.memory_space<hbm>> -> memref<1000000xf32, #tpu.memory_space<hbm>>
    tpu.wait_indirect_dma semaphore(%arg28 : memref<!tpu.dma_semaphore, #tpu.memory_space<semaphore_mem>>) src(%dma_wait3A_100 : memref<1000000xf32, #tpu.memory_space<hbm>>) dst(%dma_wait3A_96 : memref<128xf32, #tpu.memory_space<vmem>>)
    %dma_wait3A_101 = arith.constant 384 : i32
    %dma_wait3A_102 = tpu.memref_slice %arg20[%dma_wait3A_101] : memref<512xf32, #tpu.memory_space<vmem>> -> memref<128xf32, #tpu.memory_space<vmem>>
    %dma_wait3A_103 = arith.constant 384 : i32
    %dma_wait3A_104 = tpu.memref_slice %arg18[%dma_wait3A_103] : memref<512xi32, #tpu.memory_space<vmem>> -> memref<128xi32, #tpu.memory_space<vmem>>
    %dma_wait3A_105 = arith.constant 0 : i32
    %dma_wait3A_106 = tpu.memref_slice %arg5[%dma_wait3A_105] : memref<1000000xf32, #tpu.memory_space<hbm>> -> memref<1000000xf32, #tpu.memory_space<hbm>>
    tpu.wait_indirect_dma semaphore(%arg28 : memref<!tpu.dma_semaphore, #tpu.memory_space<semaphore_mem>>) src(%dma_wait3A_106 : memref<1000000xf32, #tpu.memory_space<hbm>>) dst(%dma_wait3A_102 : memref<128xf32, #tpu.memory_space<vmem>>)
    %dma_start3A_107 = arith.constant 128 : i32
    %dma_start3A_108 = tpu.memref_slice %arg13[%dma_start3A_107] : memref<512xi32, #tpu.memory_space<vmem>> -> memref<128xi32, #tpu.memory_space<vmem>>
    %dma_start3A_109 = arith.constant 0 : i32
    %dma_start3A_110 = arith.constant 0 : i32
    %dma_start3A_111 = tpu.memref_slice %arg2[%dma_start3A_109, %dma_start3A_110] : memref<250000x128xf32, #tpu.memory_space<hbm>> -> memref<250000x128xf32, #tpu.memory_space<hbm>>
    tpu.enqueue_indirect_dma source(%dma_start3A_111 : memref<250000x128xf32, #tpu.memory_space<hbm>>) target(%arg23 : memref<128x128xf32, #tpu.memory_space<vmem>>) offsets(%dma_start3A_108 : memref<128xi32, #tpu.memory_space<vmem>>) semaphore(%arg27 : memref<!tpu.dma_semaphore, #tpu.memory_space<semaphore_mem>>)
    %dma_start3A_112 = arith.constant 128 : i32
    %dma_start3A_113 = tpu.memref_slice %arg14[%dma_start3A_112] : memref<512xi32, #tpu.memory_space<vmem>> -> memref<128xi32, #tpu.memory_space<vmem>>
    %dma_start3A_114 = arith.constant 0 : i32
    %dma_start3A_115 = arith.constant 0 : i32
    %dma_start3A_116 = tpu.memref_slice %arg3[%dma_start3A_114, %dma_start3A_115] : memref<250000x128xf32, #tpu.memory_space<hbm>> -> memref<250000x128xf32, #tpu.memory_space<hbm>>
    tpu.enqueue_indirect_dma source(%dma_start3A_116 : memref<250000x128xf32, #tpu.memory_space<hbm>>) target(%arg25 : memref<128x128xf32, #tpu.memory_space<vmem>>) offsets(%dma_start3A_113 : memref<128xi32, #tpu.memory_space<vmem>>) semaphore(%arg27 : memref<!tpu.dma_semaphore, #tpu.memory_space<semaphore_mem>>)
    %dma_wait3A_117 = arith.constant 0 : i32
    %dma_wait3A_118 = tpu.memref_slice %arg13[%dma_wait3A_117] : memref<512xi32, #tpu.memory_space<vmem>> -> memref<128xi32, #tpu.memory_space<vmem>>
    %dma_wait3A_119 = arith.constant 0 : i32
    %dma_wait3A_120 = arith.constant 0 : i32
    %dma_wait3A_121 = tpu.memref_slice %arg2[%dma_wait3A_119, %dma_wait3A_120] : memref<250000x128xf32, #tpu.memory_space<hbm>> -> memref<250000x128xf32, #tpu.memory_space<hbm>>
    tpu.wait_indirect_dma semaphore(%arg26 : memref<!tpu.dma_semaphore, #tpu.memory_space<semaphore_mem>>) src(%dma_wait3A_121 : memref<250000x128xf32, #tpu.memory_space<hbm>>) dst(%arg22 : memref<128x128xf32, #tpu.memory_space<vmem>>)
    %dma_wait3A_122 = arith.constant 0 : i32
    %dma_wait3A_123 = tpu.memref_slice %arg14[%dma_wait3A_122] : memref<512xi32, #tpu.memory_space<vmem>> -> memref<128xi32, #tpu.memory_space<vmem>>
    %dma_wait3A_124 = arith.constant 0 : i32
    %dma_wait3A_125 = arith.constant 0 : i32
    %dma_wait3A_126 = tpu.memref_slice %arg3[%dma_wait3A_124, %dma_wait3A_125] : memref<250000x128xf32, #tpu.memory_space<hbm>> -> memref<250000x128xf32, #tpu.memory_space<hbm>>
    tpu.wait_indirect_dma semaphore(%arg26 : memref<!tpu.dma_semaphore, #tpu.memory_space<semaphore_mem>>) src(%dma_wait3A_126 : memref<250000x128xf32, #tpu.memory_space<hbm>>) dst(%arg24 : memref<128x128xf32, #tpu.memory_space<vmem>>)
    %scan3A = arith.constant 0 : i32
    %scan3A_127 = arith.constant 8 : i32
    %scan3A_128 = arith.addi %scan3A, %scan3A_127 : i32
    %scan3A_129 = arith.constant 1 : i32
    scf.for %scan3A_196 = %scan3A to %scan3A_128 step %scan3A_129  : i32 {
      %mul3A_197 = arith.constant 1 : i32
      %mul3A_198 = arith.muli %scan3A_196, %mul3A_197 : i32
      %add3A_199 = arith.constant 0 : i32
      %add3A_200 = arith.addi %add3A_199, %mul3A_198 : i32
      %mul3A_201 = arith.constant 16 : i32
      %mul3A_202 = arith.muli %add3A_200, %mul3A_201 : i32
      %add3A_203 = arith.constant 0 : i32
      %add3A_204 = arith.addi %add3A_203, %mul3A_202 : i32
      %iota3A = tpu.iota {dimensions = array<i32: 0>} : vector<16xi32>
      %mul3A_205 = arith.constant 16 : i32
      %mul3A_206 = arith.muli %add3A_200, %mul3A_205 : i32
      %add3A_207 = vector.broadcast %mul3A_206 : i32 to vector<16xi32>
      %add3A_208 = arith.addi %iota3A, %add3A_207 : vector<16xi32>
      %get3A = arith.index_cast %add3A_204 : i32 to index
      %get3A_209 = tpu.vector_load %arg15[%get3A] {strides = array<i32>} : memref<512xi32, #tpu.memory_space<vmem>>, vector<16xi32>,
      %mul3A_210 = arith.constant 32 : i32
      %mul3A_211 = vector.broadcast %mul3A_210 : i32 to vector<16xi32>
      %mul3A_212 = arith.muli %get3A_209, %mul3A_211 : vector<16xi32>
      %get3A_213 = arith.index_cast %add3A_204 : i32 to index
      %get3A_214 = tpu.vector_load %arg16[%get3A_213] {strides = array<i32>} : memref<512xi32, #tpu.memory_space<vmem>>, vector<16xi32>,
      %mul3A_215 = arith.constant 32 : i32
      %mul3A_216 = vector.broadcast %mul3A_215 : i32 to vector<16xi32>
      %mul3A_217 = arith.muli %get3A_214, %mul3A_216 : vector<16xi32>
      %get3A_218 = arith.index_cast %add3A_204 : i32 to index
      %get3A_219 = tpu.vector_load %arg19[%get3A_218] {strides = array<i32>} : memref<512xf32, #tpu.memory_space<vmem>>, vector<16xf32>,
      %get3A_220 = arith.index_cast %add3A_204 : i32 to index
      %get3A_221 = tpu.vector_load %arg20[%get3A_220] {strides = array<i32>} : memref<512xf32, #tpu.memory_space<vmem>>, vector<16xf32>,
      %add3A_222 = arith.addf %get3A_219, %get3A_221 : vector<16xf32>
      %scan3A_223 = arith.constant 0 : i32
      %scan3A_224 = arith.constant 8 : i32
      %scan3A_225 = arith.addi %scan3A_223, %scan3A_224 : i32
      %scan3A_226 = arith.constant 1 : i32
      %scan3A_227 = scf.for %scan3A_230 = %scan3A_223 to %scan3A_225 step %scan3A_226 iter_args(%scan3A_231 = %add3A_222) -> (vector<16xf32>)  : i32 {
        %mul3A_232 = arith.constant 4 : i32
        %mul3A_233 = arith.muli %scan3A_230, %mul3A_232 : i32
        %add3A_234 = arith.constant 0 : i32
        %add3A_235 = arith.addi %mul3A_233, %add3A_234 : i32
        %add3A_236 = vector.broadcast %add3A_235 : i32 to vector<16xi32>
        %add3A_237 = arith.addi %mul3A_212, %add3A_236 : vector<16xi32>
        %gather3A = tpu.vector_load_idx %arg22[%add3A_208, %add3A_237] : memref<128x128xf32, #tpu.memory_space<vmem>>[vector<16xi32>, vector<16xi32>], vector<16xf32>,
        %add3A_238 = vector.broadcast %add3A_235 : i32 to vector<16xi32>
        %add3A_239 = arith.addi %mul3A_217, %add3A_238 : vector<16xi32>
        %gather3A_240 = tpu.vector_load_idx %arg24[%add3A_208, %add3A_239] : memref<128x128xf32, #tpu.memory_space<vmem>>[vector<16xi32>, vector<16xi32>], vector<16xf32>,
        %mul3A_241 = arith.mulf %gather3A, %gather3A_240 : vector<16xf32>
        %add3A_242 = arith.addf %scan3A_231, %mul3A_241 : vector<16xf32>
        %mul3A_243 = arith.constant 4 : i32
        %mul3A_244 = arith.muli %scan3A_230, %mul3A_243 : i32
        %add3A_245 = arith.constant 1 : i32
        %add3A_246 = arith.addi %mul3A_244, %add3A_245 : i32
        %add3A_247 = vector.broadcast %add3A_246 : i32 to vector<16xi32>
        %add3A_248 = arith.addi %mul3A_212, %add3A_247 : vector<16xi32>
        %gather3A_249 = tpu.vector_load_idx %arg22[%add3A_208, %add3A_248] : memref<128x128xf32, #tpu.memory_space<vmem>>[vector<16xi32>, vector<16xi32>], vector<16xf32>,
        %add3A_250 = vector.broadcast %add3A_246 : i32 to vector<16xi32>
        %add3A_251 = arith.addi %mul3A_217, %add3A_250 : vector<16xi32>
        %gather3A_252 = tpu.vector_load_idx %arg24[%add3A_208, %add3A_251] : memref<128x128xf32, #tpu.memory_space<vmem>>[vector<16xi32>, vector<16xi32>], vector<16xf32>,
        %mul3A_253 = arith.mulf %gather3A_249, %gather3A_252 : vector<16xf32>
        %add3A_254 = arith.addf %add3A_242, %mul3A_253 : vector<16xf32>
        %mul3A_255 = arith.constant 4 : i32
        %mul3A_256 = arith.muli %scan3A_230, %mul3A_255 : i32
        %add3A_257 = arith.constant 2 : i32
        %add3A_258 = arith.addi %mul3A_256, %add3A_257 : i32
        %add3A_259 = vector.broadcast %add3A_258 : i32 to vector<16xi32>
        %add3A_260 = arith.addi %mul3A_212, %add3A_259 : vector<16xi32>
        %gather3A_261 = tpu.vector_load_idx %arg22[%add3A_208, %add3A_260] : memref<128x128xf32, #tpu.memory_space<vmem>>[vector<16xi32>, vector<16xi32>], vector<16xf32>,
        %add3A_262 = vector.broadcast %add3A_258 : i32 to vector<16xi32>
        %add3A_263 = arith.addi %mul3A_217, %add3A_262 : vector<16xi32>
        %gather3A_264 = tpu.vector_load_idx %arg24[%add3A_208, %add3A_263] : memref<128x128xf32, #tpu.memory_space<vmem>>[vector<16xi32>, vector<16xi32>], vector<16xf32>,
        %mul3A_265 = arith.mulf %gather3A_261, %gather3A_264 : vector<16xf32>
        %add3A_266 = arith.addf %add3A_254, %mul3A_265 : vector<16xf32>
        %mul3A_267 = arith.constant 4 : i32
        %mul3A_268 = arith.muli %scan3A_230, %mul3A_267 : i32
        %add3A_269 = arith.constant 3 : i32
        %add3A_270 = arith.addi %mul3A_268, %add3A_269 : i32
        %add3A_271 = vector.broadcast %add3A_270 : i32 to vector<16xi32>
        %add3A_272 = arith.addi %mul3A_212, %add3A_271 : vector<16xi32>
        %gather3A_273 = tpu.vector_load_idx %arg22[%add3A_208, %add3A_272] : memref<128x128xf32, #tpu.memory_space<vmem>>[vector<16xi32>, vector<16xi32>], vector<16xf32>,
        %add3A_274 = vector.broadcast %add3A_270 : i32 to vector<16xi32>
        %add3A_275 = arith.addi %mul3A_217, %add3A_274 : vector<16xi32>
        %gather3A_276 = tpu.vector_load_idx %arg24[%add3A_208, %add3A_275] : memref<128x128xf32, #tpu.memory_space<vmem>>[vector<16xi32>, vector<16xi32>], vector<16xf32>,
        %mul3A_277 = arith.mulf %gather3A_273, %gather3A_276 : vector<16xf32>
        %add3A_278 = arith.addf %add3A_266, %mul3A_277 : vector<16xf32>
        scf.yield %add3A_278 : vector<16xf32>
      }
      %scan3A_228 = arith.constant 8 : i32
      %swap3A = arith.index_cast %add3A_204 : i32 to index
      %swap3A_229 = tpu.vector_load %arg21[%swap3A] {strides = array<i32>} : memref<512xf32, #tpu.memory_space<vmem>>, vector<16xf32>,
      tpu.vector_store %arg21[%swap3A], %scan3A_227 {strides = array<i32>} : memref<512xf32, #tpu.memory_space<vmem>>, vector<16xf32>,
    }
    %scan3A_130 = arith.constant 8 : i32
    %dma_start3A_131 = arith.constant 256 : i32
    %dma_start3A_132 = tpu.memref_slice %arg13[%dma_start3A_131] : memref<512xi32, #tpu.memory_space<vmem>> -> memref<128xi32, #tpu.memory_space<vmem>>
    %dma_start3A_133 = arith.constant 0 : i32
    %dma_start3A_134 = arith.constant 0 : i32
    %dma_start3A_135 = tpu.memref_slice %arg2[%dma_start3A_133, %dma_start3A_134] : memref<250000x128xf32, #tpu.memory_space<hbm>> -> memref<250000x128xf32, #tpu.memory_space<hbm>>
    tpu.enqueue_indirect_dma source(%dma_start3A_135 : memref<250000x128xf32, #tpu.memory_space<hbm>>) target(%arg22 : memref<128x128xf32, #tpu.memory_space<vmem>>) offsets(%dma_start3A_132 : memref<128xi32, #tpu.memory_space<vmem>>) semaphore(%arg26 : memref<!tpu.dma_semaphore, #tpu.memory_space<semaphore_mem>>)
    %dma_start3A_136 = arith.constant 256 : i32
    %dma_start3A_137 = tpu.memref_slice %arg14[%dma_start3A_136] : memref<512xi32, #tpu.memory_space<vmem>> -> memref<128xi32, #tpu.memory_space<vmem>>
    %dma_start3A_138 = arith.constant 0 : i32
    %dma_start3A_139 = arith.constant 0 : i32
    %dma_start3A_140 = tpu.memref_slice %arg3[%dma_start3A_138, %dma_start3A_139] : memref<250000x128xf32, #tpu.memory_space<hbm>> -> memref<250000x128xf32, #tpu.memory_space<hbm>>
    tpu.enqueue_indirect_dma source(%dma_start3A_140 : memref<250000x128xf32, #tpu.memory_space<hbm>>) target(%arg24 : memref<128x128xf32, #tpu.memory_space<vmem>>) offsets(%dma_start3A_137 : memref<128xi32, #tpu.memory_space<vmem>>) semaphore(%arg26 : memref<!tpu.dma_semaphore, #tpu.memory_space<semaphore_mem>>)
    %dma_wait3A_141 = arith.constant 128 : i32
    %dma_wait3A_142 = tpu.memref_slice %arg13[%dma_wait3A_141] : memref<512xi32, #tpu.memory_space<vmem>> -> memref<128xi32, #tpu.memory_space<vmem>>
    %dma_wait3A_143 = arith.constant 0 : i32
    %dma_wait3A_144 = arith.constant 0 : i32
    %dma_wait3A_145 = tpu.memref_slice %arg2[%dma_wait3A_143, %dma_wait3A_144] : memref<250000x128xf32, #tpu.memory_space<hbm>> -> memref<250000x128xf32, #tpu.memory_space<hbm>>
    tpu.wait_indirect_dma semaphore(%arg27 : memref<!tpu.dma_semaphore, #tpu.memory_space<semaphore_mem>>) src(%dma_wait3A_145 : memref<250000x128xf32, #tpu.memory_space<hbm>>) dst(%arg23 : memref<128x128xf32, #tpu.memory_space<vmem>>)
    %dma_wait3A_146 = arith.constant 128 : i32
    %dma_wait3A_147 = tpu.memref_slice %arg14[%dma_wait3A_146] : memref<512xi32, #tpu.memory_space<vmem>> -> memref<128xi32, #tpu.memory_space<vmem>>
    %dma_wait3A_148 = arith.constant 0 : i32
    %dma_wait3A_149 = arith.constant 0 : i32
    %dma_wait3A_150 = tpu.memref_slice %arg3[%dma_wait3A_148, %dma_wait3A_149] : memref<250000x128xf32, #tpu.memory_space<hbm>> -> memref<250000x128xf32, #tpu.memory_space<hbm>>
    tpu.wait_indirect_dma semaphore(%arg27 : memref<!tpu.dma_semaphore, #tpu.memory_space<semaphore_mem>>) src(%dma_wait3A_150 : memref<250000x128xf32, #tpu.memory_space<hbm>>) dst(%arg25 : memref<128x128xf32, #tpu.memory_space<vmem>>)
    %scan3A_151 = arith.constant 0 : i32
    %scan3A_152 = arith.constant 8 : i32
    %scan3A_153 = arith.addi %scan3A_151, %scan3A_152 : i32
    %scan3A_154 = arith.constant 1 : i32
    scf.for %scan3A_196 = %scan3A_151 to %scan3A_153 step %scan3A_154  : i32 {
      %mul3A_197 = arith.constant 1 : i32
      %mul3A_198 = arith.muli %scan3A_196, %mul3A_197 : i32
      %add3A_199 = arith.constant 0 : i32
      %add3A_200 = arith.addi %add3A_199, %mul3A_198 : i32
      %mul3A_201 = arith.constant 16 : i32
      %mul3A_202 = arith.muli %add3A_200, %mul3A_201 : i32
      %add3A_203 = arith.constant 128 : i32
      %add3A_204 = arith.addi %add3A_203, %mul3A_202 : i32
      %iota3A = tpu.iota {dimensions = array<i32: 0>} : vector<16xi32>
      %mul3A_205 = arith.constant 16 : i32
      %mul3A_206 = arith.muli %add3A_200, %mul3A_205 : i32
      %add3A_207 = vector.broadcast %mul3A_206 : i32 to vector<16xi32>
      %add3A_208 = arith.addi %iota3A, %add3A_207 : vector<16xi32>
      %get3A = arith.index_cast %add3A_204 : i32 to index
      %get3A_209 = tpu.vector_load %arg15[%get3A] {strides = array<i32>} : memref<512xi32, #tpu.memory_space<vmem>>, vector<16xi32>,
      %mul3A_210 = arith.constant 32 : i32
      %mul3A_211 = vector.broadcast %mul3A_210 : i32 to vector<16xi32>
      %mul3A_212 = arith.muli %get3A_209, %mul3A_211 : vector<16xi32>
      %get3A_213 = arith.index_cast %add3A_204 : i32 to index
      %get3A_214 = tpu.vector_load %arg16[%get3A_213] {strides = array<i32>} : memref<512xi32, #tpu.memory_space<vmem>>, vector<16xi32>,
      %mul3A_215 = arith.constant 32 : i32
      %mul3A_216 = vector.broadcast %mul3A_215 : i32 to vector<16xi32>
      %mul3A_217 = arith.muli %get3A_214, %mul3A_216 : vector<16xi32>
      %get3A_218 = arith.index_cast %add3A_204 : i32 to index
      %get3A_219 = tpu.vector_load %arg19[%get3A_218] {strides = array<i32>} : memref<512xf32, #tpu.memory_space<vmem>>, vector<16xf32>,
      %get3A_220 = arith.index_cast %add3A_204 : i32 to index
      %get3A_221 = tpu.vector_load %arg20[%get3A_220] {strides = array<i32>} : memref<512xf32, #tpu.memory_space<vmem>>, vector<16xf32>,
      %add3A_222 = arith.addf %get3A_219, %get3A_221 : vector<16xf32>
      %scan3A_223 = arith.constant 0 : i32
      %scan3A_224 = arith.constant 8 : i32
      %scan3A_225 = arith.addi %scan3A_223, %scan3A_224 : i32
      %scan3A_226 = arith.constant 1 : i32
      %scan3A_227 = scf.for %scan3A_230 = %scan3A_223 to %scan3A_225 step %scan3A_226 iter_args(%scan3A_231 = %add3A_222) -> (vector<16xf32>)  : i32 {
        %mul3A_232 = arith.constant 4 : i32
        %mul3A_233 = arith.muli %scan3A_230, %mul3A_232 : i32
        %add3A_234 = arith.constant 0 : i32
        %add3A_235 = arith.addi %mul3A_233, %add3A_234 : i32
        %add3A_236 = vector.broadcast %add3A_235 : i32 to vector<16xi32>
        %add3A_237 = arith.addi %mul3A_212, %add3A_236 : vector<16xi32>
        %gather3A = tpu.vector_load_idx %arg23[%add3A_208, %add3A_237] : memref<128x128xf32, #tpu.memory_space<vmem>>[vector<16xi32>, vector<16xi32>], vector<16xf32>,
        %add3A_238 = vector.broadcast %add3A_235 : i32 to vector<16xi32>
        %add3A_239 = arith.addi %mul3A_217, %add3A_238 : vector<16xi32>
        %gather3A_240 = tpu.vector_load_idx %arg25[%add3A_208, %add3A_239] : memref<128x128xf32, #tpu.memory_space<vmem>>[vector<16xi32>, vector<16xi32>], vector<16xf32>,
        %mul3A_241 = arith.mulf %gather3A, %gather3A_240 : vector<16xf32>
        %add3A_242 = arith.addf %scan3A_231, %mul3A_241 : vector<16xf32>
        %mul3A_243 = arith.constant 4 : i32
        %mul3A_244 = arith.muli %scan3A_230, %mul3A_243 : i32
        %add3A_245 = arith.constant 1 : i32
        %add3A_246 = arith.addi %mul3A_244, %add3A_245 : i32
        %add3A_247 = vector.broadcast %add3A_246 : i32 to vector<16xi32>
        %add3A_248 = arith.addi %mul3A_212, %add3A_247 : vector<16xi32>
        %gather3A_249 = tpu.vector_load_idx %arg23[%add3A_208, %add3A_248] : memref<128x128xf32, #tpu.memory_space<vmem>>[vector<16xi32>, vector<16xi32>], vector<16xf32>,
        %add3A_250 = vector.broadcast %add3A_246 : i32 to vector<16xi32>
        %add3A_251 = arith.addi %mul3A_217, %add3A_250 : vector<16xi32>
        %gather3A_252 = tpu.vector_load_idx %arg25[%add3A_208, %add3A_251] : memref<128x128xf32, #tpu.memory_space<vmem>>[vector<16xi32>, vector<16xi32>], vector<16xf32>,
        %mul3A_253 = arith.mulf %gather3A_249, %gather3A_252 : vector<16xf32>
        %add3A_254 = arith.addf %add3A_242, %mul3A_253 : vector<16xf32>
        %mul3A_255 = arith.constant 4 : i32
        %mul3A_256 = arith.muli %scan3A_230, %mul3A_255 : i32
        %add3A_257 = arith.constant 2 : i32
        %add3A_258 = arith.addi %mul3A_256, %add3A_257 : i32
        %add3A_259 = vector.broadcast %add3A_258 : i32 to vector<16xi32>
        %add3A_260 = arith.addi %mul3A_212, %add3A_259 : vector<16xi32>
        %gather3A_261 = tpu.vector_load_idx %arg23[%add3A_208, %add3A_260] : memref<128x128xf32, #tpu.memory_space<vmem>>[vector<16xi32>, vector<16xi32>], vector<16xf32>,
        %add3A_262 = vector.broadcast %add3A_258 : i32 to vector<16xi32>
        %add3A_263 = arith.addi %mul3A_217, %add3A_262 : vector<16xi32>
        %gather3A_264 = tpu.vector_load_idx %arg25[%add3A_208, %add3A_263] : memref<128x128xf32, #tpu.memory_space<vmem>>[vector<16xi32>, vector<16xi32>], vector<16xf32>,
        %mul3A_265 = arith.mulf %gather3A_261, %gather3A_264 : vector<16xf32>
        %add3A_266 = arith.addf %add3A_254, %mul3A_265 : vector<16xf32>
        %mul3A_267 = arith.constant 4 : i32
        %mul3A_268 = arith.muli %scan3A_230, %mul3A_267 : i32
        %add3A_269 = arith.constant 3 : i32
        %add3A_270 = arith.addi %mul3A_268, %add3A_269 : i32
        %add3A_271 = vector.broadcast %add3A_270 : i32 to vector<16xi32>
        %add3A_272 = arith.addi %mul3A_212, %add3A_271 : vector<16xi32>
        %gather3A_273 = tpu.vector_load_idx %arg23[%add3A_208, %add3A_272] : memref<128x128xf32, #tpu.memory_space<vmem>>[vector<16xi32>, vector<16xi32>], vector<16xf32>,
        %add3A_274 = vector.broadcast %add3A_270 : i32 to vector<16xi32>
        %add3A_275 = arith.addi %mul3A_217, %add3A_274 : vector<16xi32>
        %gather3A_276 = tpu.vector_load_idx %arg25[%add3A_208, %add3A_275] : memref<128x128xf32, #tpu.memory_space<vmem>>[vector<16xi32>, vector<16xi32>], vector<16xf32>,
        %mul3A_277 = arith.mulf %gather3A_273, %gather3A_276 : vector<16xf32>
        %add3A_278 = arith.addf %add3A_266, %mul3A_277 : vector<16xf32>
        scf.yield %add3A_278 : vector<16xf32>
      }
      %scan3A_228 = arith.constant 8 : i32
      %swap3A = arith.index_cast %add3A_204 : i32 to index
      %swap3A_229 = tpu.vector_load %arg21[%swap3A] {strides = array<i32>} : memref<512xf32, #tpu.memory_space<vmem>>, vector<16xf32>,
      tpu.vector_store %arg21[%swap3A], %scan3A_227 {strides = array<i32>} : memref<512xf32, #tpu.memory_space<vmem>>, vector<16xf32>,
    }
    %scan3A_155 = arith.constant 8 : i32
    %dma_start3A_156 = arith.constant 384 : i32
    %dma_start3A_157 = tpu.memref_slice %arg13[%dma_start3A_156] : memref<512xi32, #tpu.memory_space<vmem>> -> memref<128xi32, #tpu.memory_space<vmem>>
    %dma_start3A_158 = arith.constant 0 : i32
    %dma_start3A_159 = arith.constant 0 : i32
    %dma_start3A_160 = tpu.memref_slice %arg2[%dma_start3A_158, %dma_start3A_159] : memref<250000x128xf32, #tpu.memory_space<hbm>> -> memref<250000x128xf32, #tpu.memory_space<hbm>>
    tpu.enqueue_indirect_dma source(%dma_start3A_160 : memref<250000x128xf32, #tpu.memory_space<hbm>>) target(%arg23 : memref<128x128xf32, #tpu.memory_space<vmem>>) offsets(%dma_start3A_157 : memref<128xi32, #tpu.memory_space<vmem>>) semaphore(%arg27 : memref<!tpu.dma_semaphore, #tpu.memory_space<semaphore_mem>>)
    %dma_start3A_161 = arith.constant 384 : i32
    %dma_start3A_162 = tpu.memref_slice %arg14[%dma_start3A_161] : memref<512xi32, #tpu.memory_space<vmem>> -> memref<128xi32, #tpu.memory_space<vmem>>
    %dma_start3A_163 = arith.constant 0 : i32
    %dma_start3A_164 = arith.constant 0 : i32
    %dma_start3A_165 = tpu.memref_slice %arg3[%dma_start3A_163, %dma_start3A_164] : memref<250000x128xf32, #tpu.memory_space<hbm>> -> memref<250000x128xf32, #tpu.memory_space<hbm>>
    tpu.enqueue_indirect_dma source(%dma_start3A_165 : memref<250000x128xf32, #tpu.memory_space<hbm>>) target(%arg25 : memref<128x128xf32, #tpu.memory_space<vmem>>) offsets(%dma_start3A_162 : memref<128xi32, #tpu.memory_space<vmem>>) semaphore(%arg27 : memref<!tpu.dma_semaphore, #tpu.memory_space<semaphore_mem>>)
    %dma_wait3A_166 = arith.constant 256 : i32
    %dma_wait3A_167 = tpu.memref_slice %arg13[%dma_wait3A_166] : memref<512xi32, #tpu.memory_space<vmem>> -> memref<128xi32, #tpu.memory_space<vmem>>
    %dma_wait3A_168 = arith.constant 0 : i32
    %dma_wait3A_169 = arith.constant 0 : i32
    %dma_wait3A_170 = tpu.memref_slice %arg2[%dma_wait3A_168, %dma_wait3A_169] : memref<250000x128xf32, #tpu.memory_space<hbm>> -> memref<250000x128xf32, #tpu.memory_space<hbm>>
    tpu.wait_indirect_dma semaphore(%arg26 : memref<!tpu.dma_semaphore, #tpu.memory_space<semaphore_mem>>) src(%dma_wait3A_170 : memref<250000x128xf32, #tpu.memory_space<hbm>>) dst(%arg22 : memref<128x128xf32, #tpu.memory_space<vmem>>)
    %dma_wait3A_171 = arith.constant 256 : i32
    %dma_wait3A_172 = tpu.memref_slice %arg14[%dma_wait3A_171] : memref<512xi32, #tpu.memory_space<vmem>> -> memref<128xi32, #tpu.memory_space<vmem>>
    %dma_wait3A_173 = arith.constant 0 : i32
    %dma_wait3A_174 = arith.constant 0 : i32
    %dma_wait3A_175 = tpu.memref_slice %arg3[%dma_wait3A_173, %dma_wait3A_174] : memref<250000x128xf32, #tpu.memory_space<hbm>> -> memref<250000x128xf32, #tpu.memory_space<hbm>>
    tpu.wait_indirect_dma semaphore(%arg26 : memref<!tpu.dma_semaphore, #tpu.memory_space<semaphore_mem>>) src(%dma_wait3A_175 : memref<250000x128xf32, #tpu.memory_space<hbm>>) dst(%arg24 : memref<128x128xf32, #tpu.memory_space<vmem>>)
    %scan3A_176 = arith.constant 0 : i32
    %scan3A_177 = arith.constant 8 : i32
    %scan3A_178 = arith.addi %scan3A_176, %scan3A_177 : i32
    %scan3A_179 = arith.constant 1 : i32
    scf.for %scan3A_196 = %scan3A_176 to %scan3A_178 step %scan3A_179  : i32 {
      %mul3A_197 = arith.constant 1 : i32
      %mul3A_198 = arith.muli %scan3A_196, %mul3A_197 : i32
      %add3A_199 = arith.constant 0 : i32
      %add3A_200 = arith.addi %add3A_199, %mul3A_198 : i32
      %mul3A_201 = arith.constant 16 : i32
      %mul3A_202 = arith.muli %add3A_200, %mul3A_201 : i32
      %add3A_203 = arith.constant 256 : i32
      %add3A_204 = arith.addi %add3A_203, %mul3A_202 : i32
      %iota3A = tpu.iota {dimensions = array<i32: 0>} : vector<16xi32>
      %mul3A_205 = arith.constant 16 : i32
      %mul3A_206 = arith.muli %add3A_200, %mul3A_205 : i32
      %add3A_207 = vector.broadcast %mul3A_206 : i32 to vector<16xi32>
      %add3A_208 = arith.addi %iota3A, %add3A_207 : vector<16xi32>
      %get3A = arith.index_cast %add3A_204 : i32 to index
      %get3A_209 = tpu.vector_load %arg15[%get3A] {strides = array<i32>} : memref<512xi32, #tpu.memory_space<vmem>>, vector<16xi32>,
      %mul3A_210 = arith.constant 32 : i32
      %mul3A_211 = vector.broadcast %mul3A_210 : i32 to vector<16xi32>
      %mul3A_212 = arith.muli %get3A_209, %mul3A_211 : vector<16xi32>
      %get3A_213 = arith.index_cast %add3A_204 : i32 to index
      %get3A_214 = tpu.vector_load %arg16[%get3A_213] {strides = array<i32>} : memref<512xi32, #tpu.memory_space<vmem>>, vector<16xi32>,
      %mul3A_215 = arith.constant 32 : i32
      %mul3A_216 = vector.broadcast %mul3A_215 : i32 to vector<16xi32>
      %mul3A_217 = arith.muli %get3A_214, %mul3A_216 : vector<16xi32>
      %get3A_218 = arith.index_cast %add3A_204 : i32 to index
      %get3A_219 = tpu.vector_load %arg19[%get3A_218] {strides = array<i32>} : memref<512xf32, #tpu.memory_space<vmem>>, vector<16xf32>,
      %get3A_220 = arith.index_cast %add3A_204 : i32 to index
      %get3A_221 = tpu.vector_load %arg20[%get3A_220] {strides = array<i32>} : memref<512xf32, #tpu.memory_space<vmem>>, vector<16xf32>,
      %add3A_222 = arith.addf %get3A_219, %get3A_221 : vector<16xf32>
      %scan3A_223 = arith.constant 0 : i32
      %scan3A_224 = arith.constant 8 : i32
      %scan3A_225 = arith.addi %scan3A_223, %scan3A_224 : i32
      %scan3A_226 = arith.constant 1 : i32
      %scan3A_227 = scf.for %scan3A_230 = %scan3A_223 to %scan3A_225 step %scan3A_226 iter_args(%scan3A_231 = %add3A_222) -> (vector<16xf32>)  : i32 {
        %mul3A_232 = arith.constant 4 : i32
        %mul3A_233 = arith.muli %scan3A_230, %mul3A_232 : i32
        %add3A_234 = arith.constant 0 : i32
        %add3A_235 = arith.addi %mul3A_233, %add3A_234 : i32
        %add3A_236 = vector.broadcast %add3A_235 : i32 to vector<16xi32>
        %add3A_237 = arith.addi %mul3A_212, %add3A_236 : vector<16xi32>
        %gather3A = tpu.vector_load_idx %arg22[%add3A_208, %add3A_237] : memref<128x128xf32, #tpu.memory_space<vmem>>[vector<16xi32>, vector<16xi32>], vector<16xf32>,
        %add3A_238 = vector.broadcast %add3A_235 : i32 to vector<16xi32>
        %add3A_239 = arith.addi %mul3A_217, %add3A_238 : vector<16xi32>
        %gather3A_240 = tpu.vector_load_idx %arg24[%add3A_208, %add3A_239] : memref<128x128xf32, #tpu.memory_space<vmem>>[vector<16xi32>, vector<16xi32>], vector<16xf32>,
        %mul3A_241 = arith.mulf %gather3A, %gather3A_240 : vector<16xf32>
        %add3A_242 = arith.addf %scan3A_231, %mul3A_241 : vector<16xf32>
        %mul3A_243 = arith.constant 4 : i32
        %mul3A_244 = arith.muli %scan3A_230, %mul3A_243 : i32
        %add3A_245 = arith.constant 1 : i32
        %add3A_246 = arith.addi %mul3A_244, %add3A_245 : i32
        %add3A_247 = vector.broadcast %add3A_246 : i32 to vector<16xi32>
        %add3A_248 = arith.addi %mul3A_212, %add3A_247 : vector<16xi32>
        %gather3A_249 = tpu.vector_load_idx %arg22[%add3A_208, %add3A_248] : memref<128x128xf32, #tpu.memory_space<vmem>>[vector<16xi32>, vector<16xi32>], vector<16xf32>,
        %add3A_250 = vector.broadcast %add3A_246 : i32 to vector<16xi32>
        %add3A_251 = arith.addi %mul3A_217, %add3A_250 : vector<16xi32>
        %gather3A_252 = tpu.vector_load_idx %arg24[%add3A_208, %add3A_251] : memref<128x128xf32, #tpu.memory_space<vmem>>[vector<16xi32>, vector<16xi32>], vector<16xf32>,
        %mul3A_253 = arith.mulf %gather3A_249, %gather3A_252 : vector<16xf32>
        %add3A_254 = arith.addf %add3A_242, %mul3A_253 : vector<16xf32>
        %mul3A_255 = arith.constant 4 : i32
        %mul3A_256 = arith.muli %scan3A_230, %mul3A_255 : i32
        %add3A_257 = arith.constant 2 : i32
        %add3A_258 = arith.addi %mul3A_256, %add3A_257 : i32
        %add3A_259 = vector.broadcast %add3A_258 : i32 to vector<16xi32>
        %add3A_260 = arith.addi %mul3A_212, %add3A_259 : vector<16xi32>
        %gather3A_261 = tpu.vector_load_idx %arg22[%add3A_208, %add3A_260] : memref<128x128xf32, #tpu.memory_space<vmem>>[vector<16xi32>, vector<16xi32>], vector<16xf32>,
        %add3A_262 = vector.broadcast %add3A_258 : i32 to vector<16xi32>
        %add3A_263 = arith.addi %mul3A_217, %add3A_262 : vector<16xi32>
        %gather3A_264 = tpu.vector_load_idx %arg24[%add3A_208, %add3A_263] : memref<128x128xf32, #tpu.memory_space<vmem>>[vector<16xi32>, vector<16xi32>], vector<16xf32>,
        %mul3A_265 = arith.mulf %gather3A_261, %gather3A_264 : vector<16xf32>
        %add3A_266 = arith.addf %add3A_254, %mul3A_265 : vector<16xf32>
        %mul3A_267 = arith.constant 4 : i32
        %mul3A_268 = arith.muli %scan3A_230, %mul3A_267 : i32
        %add3A_269 = arith.constant 3 : i32
        %add3A_270 = arith.addi %mul3A_268, %add3A_269 : i32
        %add3A_271 = vector.broadcast %add3A_270 : i32 to vector<16xi32>
        %add3A_272 = arith.addi %mul3A_212, %add3A_271 : vector<16xi32>
        %gather3A_273 = tpu.vector_load_idx %arg22[%add3A_208, %add3A_272] : memref<128x128xf32, #tpu.memory_space<vmem>>[vector<16xi32>, vector<16xi32>], vector<16xf32>,
        %add3A_274 = vector.broadcast %add3A_270 : i32 to vector<16xi32>
        %add3A_275 = arith.addi %mul3A_217, %add3A_274 : vector<16xi32>
        %gather3A_276 = tpu.vector_load_idx %arg24[%add3A_208, %add3A_275] : memref<128x128xf32, #tpu.memory_space<vmem>>[vector<16xi32>, vector<16xi32>], vector<16xf32>,
        %mul3A_277 = arith.mulf %gather3A_273, %gather3A_276 : vector<16xf32>
        %add3A_278 = arith.addf %add3A_266, %mul3A_277 : vector<16xf32>
        scf.yield %add3A_278 : vector<16xf32>
      }
      %scan3A_228 = arith.constant 8 : i32
      %swap3A = arith.index_cast %add3A_204 : i32 to index
      %swap3A_229 = tpu.vector_load %arg21[%swap3A] {strides = array<i32>} : memref<512xf32, #tpu.memory_space<vmem>>, vector<16xf32>,
      tpu.vector_store %arg21[%swap3A], %scan3A_227 {strides = array<i32>} : memref<512xf32, #tpu.memory_space<vmem>>, vector<16xf32>,
    }
    %scan3A_180 = arith.constant 8 : i32
    %dma_wait3A_181 = arith.constant 384 : i32
    %dma_wait3A_182 = tpu.memref_slice %arg13[%dma_wait3A_181] : memref<512xi32, #tpu.memory_space<vmem>> -> memref<128xi32, #tpu.memory_space<vmem>>
    %dma_wait3A_183 = arith.constant 0 : i32
    %dma_wait3A_184 = arith.constant 0 : i32
    %dma_wait3A_185 = tpu.memref_slice %arg2[%dma_wait3A_183, %dma_wait3A_184] : memref<250000x128xf32, #tpu.memory_space<hbm>> -> memref<250000x128xf32, #tpu.memory_space<hbm>>
    tpu.wait_indirect_dma semaphore(%arg27 : memref<!tpu.dma_semaphore, #tpu.memory_space<semaphore_mem>>) src(%dma_wait3A_185 : memref<250000x128xf32, #tpu.memory_space<hbm>>) dst(%arg23 : memref<128x128xf32, #tpu.memory_space<vmem>>)
    %dma_wait3A_186 = arith.constant 384 : i32
    %dma_wait3A_187 = tpu.memref_slice %arg14[%dma_wait3A_186] : memref<512xi32, #tpu.memory_space<vmem>> -> memref<128xi32, #tpu.memory_space<vmem>>
    %dma_wait3A_188 = arith.constant 0 : i32
    %dma_wait3A_189 = arith.constant 0 : i32
    %dma_wait3A_190 = tpu.memref_slice %arg3[%dma_wait3A_188, %dma_wait3A_189] : memref<250000x128xf32, #tpu.memory_space<hbm>> -> memref<250000x128xf32, #tpu.memory_space<hbm>>
    tpu.wait_indirect_dma semaphore(%arg27 : memref<!tpu.dma_semaphore, #tpu.memory_space<semaphore_mem>>) src(%dma_wait3A_190 : memref<250000x128xf32, #tpu.memory_space<hbm>>) dst(%arg25 : memref<128x128xf32, #tpu.memory_space<vmem>>)
    %scan3A_191 = arith.constant 0 : i32
    %scan3A_192 = arith.constant 8 : i32
    %scan3A_193 = arith.addi %scan3A_191, %scan3A_192 : i32
    %scan3A_194 = arith.constant 1 : i32
    scf.for %scan3A_196 = %scan3A_191 to %scan3A_193 step %scan3A_194  : i32 {
      %mul3A_197 = arith.constant 1 : i32
      %mul3A_198 = arith.muli %scan3A_196, %mul3A_197 : i32
      %add3A_199 = arith.constant 0 : i32
      %add3A_200 = arith.addi %add3A_199, %mul3A_198 : i32
      %mul3A_201 = arith.constant 16 : i32
      %mul3A_202 = arith.muli %add3A_200, %mul3A_201 : i32
      %add3A_203 = arith.constant 384 : i32
      %add3A_204 = arith.addi %add3A_203, %mul3A_202 : i32
      %iota3A = tpu.iota {dimensions = array<i32: 0>} : vector<16xi32>
      %mul3A_205 = arith.constant 16 : i32
      %mul3A_206 = arith.muli %add3A_200, %mul3A_205 : i32
      %add3A_207 = vector.broadcast %mul3A_206 : i32 to vector<16xi32>
      %add3A_208 = arith.addi %iota3A, %add3A_207 : vector<16xi32>
      %get3A = arith.index_cast %add3A_204 : i32 to index
      %get3A_209 = tpu.vector_load %arg15[%get3A] {strides = array<i32>} : memref<512xi32, #tpu.memory_space<vmem>>, vector<16xi32>,
      %mul3A_210 = arith.constant 32 : i32
      %mul3A_211 = vector.broadcast %mul3A_210 : i32 to vector<16xi32>
      %mul3A_212 = arith.muli %get3A_209, %mul3A_211 : vector<16xi32>
      %get3A_213 = arith.index_cast %add3A_204 : i32 to index
      %get3A_214 = tpu.vector_load %arg16[%get3A_213] {strides = array<i32>} : memref<512xi32, #tpu.memory_space<vmem>>, vector<16xi32>,
      %mul3A_215 = arith.constant 32 : i32
      %mul3A_216 = vector.broadcast %mul3A_215 : i32 to vector<16xi32>
      %mul3A_217 = arith.muli %get3A_214, %mul3A_216 : vector<16xi32>
      %get3A_218 = arith.index_cast %add3A_204 : i32 to index
      %get3A_219 = tpu.vector_load %arg19[%get3A_218] {strides = array<i32>} : memref<512xf32, #tpu.memory_space<vmem>>, vector<16xf32>,
      %get3A_220 = arith.index_cast %add3A_204 : i32 to index
      %get3A_221 = tpu.vector_load %arg20[%get3A_220] {strides = array<i32>} : memref<512xf32, #tpu.memory_space<vmem>>, vector<16xf32>,
      %add3A_222 = arith.addf %get3A_219, %get3A_221 : vector<16xf32>
      %scan3A_223 = arith.constant 0 : i32
      %scan3A_224 = arith.constant 8 : i32
      %scan3A_225 = arith.addi %scan3A_223, %scan3A_224 : i32
      %scan3A_226 = arith.constant 1 : i32
      %scan3A_227 = scf.for %scan3A_230 = %scan3A_223 to %scan3A_225 step %scan3A_226 iter_args(%scan3A_231 = %add3A_222) -> (vector<16xf32>)  : i32 {
        %mul3A_232 = arith.constant 4 : i32
        %mul3A_233 = arith.muli %scan3A_230, %mul3A_232 : i32
        %add3A_234 = arith.constant 0 : i32
        %add3A_235 = arith.addi %mul3A_233, %add3A_234 : i32
        %add3A_236 = vector.broadcast %add3A_235 : i32 to vector<16xi32>
        %add3A_237 = arith.addi %mul3A_212, %add3A_236 : vector<16xi32>
        %gather3A = tpu.vector_load_idx %arg23[%add3A_208, %add3A_237] : memref<128x128xf32, #tpu.memory_space<vmem>>[vector<16xi32>, vector<16xi32>], vector<16xf32>,
        %add3A_238 = vector.broadcast %add3A_235 : i32 to vector<16xi32>
        %add3A_239 = arith.addi %mul3A_217, %add3A_238 : vector<16xi32>
        %gather3A_240 = tpu.vector_load_idx %arg25[%add3A_208, %add3A_239] : memref<128x128xf32, #tpu.memory_space<vmem>>[vector<16xi32>, vector<16xi32>], vector<16xf32>,
        %mul3A_241 = arith.mulf %gather3A, %gather3A_240 : vector<16xf32>
        %add3A_242 = arith.addf %scan3A_231, %mul3A_241 : vector<16xf32>
        %mul3A_243 = arith.constant 4 : i32
        %mul3A_244 = arith.muli %scan3A_230, %mul3A_243 : i32
        %add3A_245 = arith.constant 1 : i32
        %add3A_246 = arith.addi %mul3A_244, %add3A_245 : i32
        %add3A_247 = vector.broadcast %add3A_246 : i32 to vector<16xi32>
        %add3A_248 = arith.addi %mul3A_212, %add3A_247 : vector<16xi32>
        %gather3A_249 = tpu.vector_load_idx %arg23[%add3A_208, %add3A_248] : memref<128x128xf32, #tpu.memory_space<vmem>>[vector<16xi32>, vector<16xi32>], vector<16xf32>,
        %add3A_250 = vector.broadcast %add3A_246 : i32 to vector<16xi32>
        %add3A_251 = arith.addi %mul3A_217, %add3A_250 : vector<16xi32>
        %gather3A_252 = tpu.vector_load_idx %arg25[%add3A_208, %add3A_251] : memref<128x128xf32, #tpu.memory_space<vmem>>[vector<16xi32>, vector<16xi32>], vector<16xf32>,
        %mul3A_253 = arith.mulf %gather3A_249, %gather3A_252 : vector<16xf32>
        %add3A_254 = arith.addf %add3A_242, %mul3A_253 : vector<16xf32>
        %mul3A_255 = arith.constant 4 : i32
        %mul3A_256 = arith.muli %scan3A_230, %mul3A_255 : i32
        %add3A_257 = arith.constant 2 : i32
        %add3A_258 = arith.addi %mul3A_256, %add3A_257 : i32
        %add3A_259 = vector.broadcast %add3A_258 : i32 to vector<16xi32>
        %add3A_260 = arith.addi %mul3A_212, %add3A_259 : vector<16xi32>
        %gather3A_261 = tpu.vector_load_idx %arg23[%add3A_208, %add3A_260] : memref<128x128xf32, #tpu.memory_space<vmem>>[vector<16xi32>, vector<16xi32>], vector<16xf32>,
        %add3A_262 = vector.broadcast %add3A_258 : i32 to vector<16xi32>
        %add3A_263 = arith.addi %mul3A_217, %add3A_262 : vector<16xi32>
        %gather3A_264 = tpu.vector_load_idx %arg25[%add3A_208, %add3A_263] : memref<128x128xf32, #tpu.memory_space<vmem>>[vector<16xi32>, vector<16xi32>], vector<16xf32>,
        %mul3A_265 = arith.mulf %gather3A_261, %gather3A_264 : vector<16xf32>
        %add3A_266 = arith.addf %add3A_254, %mul3A_265 : vector<16xf32>
        %mul3A_267 = arith.constant 4 : i32
        %mul3A_268 = arith.muli %scan3A_230, %mul3A_267 : i32
        %add3A_269 = arith.constant 3 : i32
        %add3A_270 = arith.addi %mul3A_268, %add3A_269 : i32
        %add3A_271 = vector.broadcast %add3A_270 : i32 to vector<16xi32>
        %add3A_272 = arith.addi %mul3A_212, %add3A_271 : vector<16xi32>
        %gather3A_273 = tpu.vector_load_idx %arg23[%add3A_208, %add3A_272] : memref<128x128xf32, #tpu.memory_space<vmem>>[vector<16xi32>, vector<16xi32>], vector<16xf32>,
        %add3A_274 = vector.broadcast %add3A_270 : i32 to vector<16xi32>
        %add3A_275 = arith.addi %mul3A_217, %add3A_274 : vector<16xi32>
        %gather3A_276 = tpu.vector_load_idx %arg25[%add3A_208, %add3A_275] : memref<128x128xf32, #tpu.memory_space<vmem>>[vector<16xi32>, vector<16xi32>], vector<16xf32>,
        %mul3A_277 = arith.mulf %gather3A_273, %gather3A_276 : vector<16xf32>
        %add3A_278 = arith.addf %add3A_266, %mul3A_277 : vector<16xf32>
        scf.yield %add3A_278 : vector<16xf32>
      }
      %scan3A_228 = arith.constant 8 : i32
      %swap3A = arith.index_cast %add3A_204 : i32 to index
      %swap3A_229 = tpu.vector_load %arg21[%swap3A] {strides = array<i32>} : memref<512xf32, #tpu.memory_space<vmem>>, vector<16xf32>,
      tpu.vector_store %arg21[%swap3A], %scan3A_227 {strides = array<i32>} : memref<512xf32, #tpu.memory_space<vmem>>, vector<16xf32>,
    }
    %scan3A_195 = arith.constant 8 : i32
    "tpu.region"() ({
      %run_scoped3A = tpu.sem_alloc : memref<!tpu.dma_semaphore, #tpu.memory_space<semaphore_mem>>
      %dma_start3A_196 = tpu.memref_slice %arg12[%mul3A_2] : memref<16384xf32, #tpu.memory_space<hbm>> -> memref<512xf32, #tpu.memory_space<hbm>>
      %dma_start3A_197 = tpu.memref_slice %arg12[%mul3A_2] : memref<16384xf32, #tpu.memory_space<hbm>> -> memref<512xf32, #tpu.memory_space<hbm>>
      tpu.enqueue_dma source(%arg21 : memref<512xf32, #tpu.memory_space<vmem>>) target(%dma_start3A_197 : memref<512xf32, #tpu.memory_space<hbm>>) target_semaphore(%run_scoped3A : memref<!tpu.dma_semaphore, #tpu.memory_space<semaphore_mem>>)
      %dma_wait3A_198 = tpu.memref_slice %arg12[%mul3A_2] : memref<16384xf32, #tpu.memory_space<hbm>> -> memref<512xf32, #tpu.memory_space<hbm>>
      %dma_wait3A_199 = tpu.memref_slice %arg12[%mul3A_2] : memref<16384xf32, #tpu.memory_space<hbm>> -> memref<512xf32, #tpu.memory_space<hbm>>
      tpu.wait_dma2 semaphore(%run_scoped3A : memref<!tpu.dma_semaphore, #tpu.memory_space<semaphore_mem>>) src(%arg21 : memref<512xf32, #tpu.memory_space<vmem>>) dst(%dma_wait3A_199 : memref<512xf32, #tpu.memory_space<hbm>>)
      tpu.yield
    }) : () -> ()
    return
  }
}

module attributes {stable_mosaic.version = 14 : i64} {
  func.func @_prep_body(%arg0: memref<16384xi32, #tpu.memory_space<vmem>>, %arg1: memref<16384xi32, #tpu.memory_space<vmem>>, %arg2: memref<16384xi32, #tpu.memory_space<vmem>>, %arg3: memref<16384xi32, #tpu.memory_space<vmem>>, %arg4: memref<16384xi32, #tpu.memory_space<vmem>>, %arg5: memref<16384xi32, #tpu.memory_space<vmem>>) attributes {dimension_semantics = [], scalar_prefetch = 0 : i64, scratch_operands = 0 : i64, tpu.core_type = #tpu.core_type<tc>} {
    %get3A = arith.constant 0 : index
    %get3A_0 = vector.load %arg0[%get3A] : memref<16384xi32, #tpu.memory_space<vmem>>, vector<16384xi32>
    %get3A_1 = arith.constant 0 : index
    %get3A_2 = vector.load %arg1[%get3A_1] : memref<16384xi32, #tpu.memory_space<vmem>>, vector<16384xi32>
    %shift_right_arithmetic3A = arith.constant 2 : i32
    %shift_right_arithmetic3A_3 = vector.broadcast %shift_right_arithmetic3A : i32 to vector<16384xi32>
    %shift_right_arithmetic3A_4 = arith.shrsi %get3A_0, %shift_right_arithmetic3A_3 : vector<16384xi32>
    %swap3A = arith.constant 0 : index
    %swap3A_5 = vector.load %arg2[%swap3A] : memref<16384xi32, #tpu.memory_space<vmem>>, vector<16384xi32>
    tpu.vector_store %arg2[%swap3A], %shift_right_arithmetic3A_4 {strides = array<i32>} : memref<16384xi32, #tpu.memory_space<vmem>>, vector<16384xi32>,
    %shift_right_arithmetic3A_6 = arith.constant 2 : i32
    %shift_right_arithmetic3A_7 = vector.broadcast %shift_right_arithmetic3A_6 : i32 to vector<16384xi32>
    %shift_right_arithmetic3A_8 = arith.shrsi %get3A_2, %shift_right_arithmetic3A_7 : vector<16384xi32>
    %swap3A_9 = arith.constant 0 : index
    %swap3A_10 = vector.load %arg3[%swap3A_9] : memref<16384xi32, #tpu.memory_space<vmem>>, vector<16384xi32>
    tpu.vector_store %arg3[%swap3A_9], %shift_right_arithmetic3A_8 {strides = array<i32>} : memref<16384xi32, #tpu.memory_space<vmem>>, vector<16384xi32>,
    %and3A = arith.constant 3 : i32
    %and3A_11 = vector.broadcast %and3A : i32 to vector<16384xi32>
    %and3A_12 = arith.andi %get3A_0, %and3A_11 : vector<16384xi32>
    %swap3A_13 = arith.constant 0 : index
    %swap3A_14 = vector.load %arg4[%swap3A_13] : memref<16384xi32, #tpu.memory_space<vmem>>, vector<16384xi32>
    tpu.vector_store %arg4[%swap3A_13], %and3A_12 {strides = array<i32>} : memref<16384xi32, #tpu.memory_space<vmem>>, vector<16384xi32>,
    %and3A_15 = arith.constant 3 : i32
    %and3A_16 = vector.broadcast %and3A_15 : i32 to vector<16384xi32>
    %and3A_17 = arith.andi %get3A_2, %and3A_16 : vector<16384xi32>
    %swap3A_18 = arith.constant 0 : index
    %swap3A_19 = vector.load %arg5[%swap3A_18] : memref<16384xi32, #tpu.memory_space<vmem>>, vector<16384xi32>
    tpu.vector_store %arg5[%swap3A_18], %and3A_17 {strides = array<i32>} : memref<16384xi32, #tpu.memory_space<vmem>>, vector<16384xi32>,
    return
  }
}

</mosaic_0001>

<sc_bundles>
// kernel: kernel.4.cloned.1.call-start
scs
__scs_entry_jumppad:
0x0: {  	(pc) =	sbr.rel $0x88, $3  }
0x1: {  	(tag) =	ssettag $0x0;
	lr =	simm.s32 $0x1  }
0x2: {  	[smem:$0x3F9B] =	sst lr;
	_ =	strace $0xD0000000  }
0x3: {  	_ = 	snop  }
0x4: {  	_ = 	snop  }
0x5: {  	_ = 	snop  }
0x6: {  	_ = 	snop  }
0x7: {  	_ = 	snop  }
__scs_overlays_trampoline_lowered:
0x8: {  	[smem:$0x3FAA] =	sst s0  }
0x9: {  	[smem:$0x3FAB] =	sst s1  }
0xa: {  	[smem:$0x3FAC] =	sst s2  }
0xb: {  	[smem:$0x3FAD] =	sst s3  }
0xc: {  	[smem:$0x3FAE] =	sst s4  }
0xd: {  	[smem:$0x3FAF] =	sst s5  }
0xe: {  	[smem:$0x3FB0] =	sst s6  }
0xf: {  	[smem:$0x3FB1] =	sst s7  }
0x10: {  	[smem:$0x3FB2] =	sst s8  }
0x11: {  	[smem:$0x3FB3] =	sst s9;
	s0 =	simm.s32 @!p0 $0x0  }
0x12: {  	s1 =	sld [smem:$0x3F99];
	s0 =	simm.s32 @p0 $0x1  }
0x13: {  	[smem:$0x3FB4] =	sst s0;
	s0 =	simm.s32 @!p1 $0x0  }
0x14: {  	s2 =	sld [smem:$0x3F98];
	s0 =	simm.s32 @p1 $0x1  }
0x15: {  	[smem:$0x3FB5] =	sst s0;
	s0 =	simm.s32 @!p2 $0x0  }
0x16: {  	s3 =	sld [smem:$0x3FDB];
	s0 =	simm.s32 @p2 $0x1  }
0x17: {  	s4 =	simm.s32 $0x1BF5;
	[smem:$0x3FB7] =	sst s0  }
0x18: {  	s0 =	sld [smem:$0x3F9A];
	_ =	swait.ge [sflag:s4], $0x0  }
0x19: {  	s7 =	sld [smem:$0x3F9B]  }
0x1a: {  	s8 =	sadd.s32 $0xFFFFE003, lr  }
0x1b: {  	s9 =	sadd.s32 $0xFFFFFEF7, lr;
	s5 =	simm.s32 $0xFFFFFFFF;
	p2 =	slt.u32 s8, $0xFFFFF086  }
0x1c: {  	p1 =	slt.u32 s9, $0xF7A;
	s5 =	simm.s32 @!p2 $0x0  }
0x1d: {  	s5 =	simm.s32 @p1 $0x1;
	p0 =	seq.s32 s7, s2  }
0x1e: {  	s7 =	smul.u32 @!p0 $0xF7A, s2;
	p2 =	seq.s32 @!p0 s5, $0x0  }
0x1f: {  	s9 =	smul.u32 $0xF7A, s1;
	s8 =	simm.s32 @!p0 $0x1BF5;
	p2 =	por !p2, p0  }
0x20: {  	[sflag:s8] =	ssyncset.s32 @!p0 $0xFFFFF086;
	s6 =	sadd.s32 @!p0 s3, s7;
	s7 =	simm.s32 @!p0 $0x108  }
0x21: {  	s3 =	sadd.s32 s3, s9;
	s6 =	sadd.s32 @!p0 $0x88, s6;
	s7 =	simm.s32 @p2 $0x1082  }
0x22: {  	[simem:s7], [sflag:s8] =	dma.local @!p0 [hbm:s6], $0xF7A  }
0x23: {  	s9 =	sor.u32 $0xD0000000, s2;
	s6 =	simm.s32 $0x108;
	_ =	swait.ge @!p0 [sflag:s8], $0x0  }
0x24: {  	s3 =	sadd.s32 $0x88, s3;
	s6 =	simm.s32 @!p1 $0x1082;
	[sflag:s4] =	ssyncset.s32 $0xFFFFF086  }
0x25: {  	[simem:s6], [sflag:s4] =	dma.local [hbm:s3], $0xF7A  }
0x26: {  	[smem:$0x3F9B] =	sst s1;
	(tag) =	ssettag s2;
	_ =	strace s9  }
0x27: {  	s1 =	sld [smem:$0x3FAB]  }
0x28: {  	s2 =	sld [smem:$0x3FAC]  }
0x29: {  	s4 =	sld [smem:$0x3FAE]  }
0x2a: {  	p0 =	seq.s32 s5, $0x0;
	s5 =	sld [smem:$0x3FAF]  }
0x2b: {  	s6 =	sld [smem:$0x3FB0]  }
0x2c: {  	s7 =	sld [smem:$0x3FB1]  }
0x2d: {  	s3 =	simm.s32 $0x108;
	s8 =	sld [smem:$0x3FB2]  }
0x2e: {  	s3 =	simm.s32 @!p0 $0x1082;
	s9 =	sld [smem:$0x3FB3]  }
0x2f: {  	lr =	sadd.s32 s0, s3;
	s0 =	sld [smem:$0x3FAA]  }
0x30: {  	s3 =	sld [smem:$0x3FAD]  }
0x31: {  	[smem:$0x3FB6] =	sst s10  }
0x32: {  	s10 =	sld [smem:$0x3FB4];
	_ =	sdelay $0x3  }
0x33: {  	p0 =	seq.s32 s10, $0x1;
	s10 =	sld [smem:$0x3FB6];
	_ =	sdelay $0x3  }
0x34: {  	[smem:$0x3FB6] =	sst s10  }
0x35: {  	s10 =	sld [smem:$0x3FB5];
	_ =	sdelay $0x3  }
0x36: {  	p1 =	seq.s32 s10, $0x1;
	s10 =	sld [smem:$0x3FB6];
	_ =	sdelay $0x3  }
0x37: {  	[smem:$0x3FB6] =	sst s10  }
0x38: {  	s10 =	sld [smem:$0x3FB7]  }
0x39: {  	_ = 	snop;
	(pc) =	sbr.ind lr, $3  }
0x3a: {  	_ = 	snop  }
0x3b: {  	_ = 	snop  }
0x3c: {  	p2 =	seq.s32 s10, $0x1;
	s10 =	sld [smem:$0x3FB6]  }
0x3d: {  	_ =	shalt  }
0x3e: {  	_ =	shalt  }
0x3f: {  	_ =	shalt  }
0x40: {  	_ =	shalt  }
0x41: {  	_ =	shalt  }
0x42: {  	_ =	shalt  }
0x43: {  	_ =	shalt  }
0x44: {  	_ =	shalt  }
0x45: {  	_ =	shalt  }
0x46: {  	_ =	shalt  }
0x47: {  	_ =	shalt  }
0x48: {  	_ =	shalt  }
0x49: {  	_ =	shalt  }
0x4a: {  	_ =	shalt  }
0x4b: {  	_ =	shalt  }
0x4c: {  	_ =	shalt  }
0x4d: {  	_ =	shalt  }
0x4e: {  	_ =	shalt  }
0x4f: {  	_ =	shalt  }
0x50: {  	_ =	shalt  }
0x51: {  	_ =	shalt  }
0x52: {  	_ =	shalt  }
0x53: {  	_ =	shalt  }
0x54: {  	_ =	shalt  }
0x55: {  	_ =	shalt  }
0x56: {  	_ =	shalt  }
0x57: {  	_ =	shalt  }
0x58: {  	_ =	shalt  }
0x59: {  	_ =	shalt  }
0x5a: {  	_ =	shalt  }
0x5b: {  	_ =	shalt  }
0x5c: {  	_ =	shalt  }
0x5d: {  	_ =	shalt  }
0x5e: {  	_ =	shalt  }
0x5f: {  	_ =	shalt  }
0x60: {  	_ =	shalt  }
0x61: {  	_ =	shalt  }
0x62: {  	_ =	shalt  }
0x63: {  	_ =	shalt  }
0x64: {  	_ =	shalt  }
0x65: {  	_ =	shalt  }
0x66: {  	_ =	shalt  }
0x67: {  	_ =	shalt  }
0x68: {  	_ =	shalt  }
0x69: {  	_ =	shalt  }
0x6a: {  	_ =	shalt  }
0x6b: {  	_ =	shalt  }
0x6c: {  	_ =	shalt  }
0x6d: {  	_ =	shalt  }
0x6e: {  	_ =	shalt  }
0x6f: {  	_ =	shalt  }
0x70: {  	_ =	shalt  }
0x71: {  	_ =	shalt  }
0x72: {  	_ =	shalt  }
0x73: {  	_ =	shalt  }
0x74: {  	_ =	shalt  }
0x75: {  	_ =	shalt  }
0x76: {  	_ =	shalt  }
0x77: {  	_ =	shalt  }
0x78: {  	_ =	shalt  }
0x79: {  	_ =	shalt  }
0x7a: {  	_ =	shalt  }
0x7b: {  	_ =	shalt  }
0x7c: {  	_ =	shalt  }
0x7d: {  	_ =	shalt  }
0x7e: {  	_ =	shalt  }
0x7f: {  	_ =	shalt  }
0x80: {  	_ =	shalt  }
0x81: {  	_ =	shalt  }
0x82: {  	_ =	shalt  }
0x83: {  	_ =	shalt  }
0x84: {  	_ =	shalt  }
0x85: {  	_ =	shalt  }
0x86: {  	_ =	shalt  }
0x87: {  	_ =	shalt  }
.Lfunc_end0:
.L_simem_size_0:
called_computation_lowered:
.L_overlay_start_0:
0x88: {  	s2 =	sld [smem:$0x3FD9]  }
0x89: {  	s3 =	sld [smem:$0x3FFE];
	_ =	sdelay $0x1  }
0x8a: {  	s1 =	srdreg.scid  }
0x8b: {  	s0 =	sand.u32 $0x1, s1  }
0x8c: {  	s17 =	sshll.u32 s0, $0xA;
	s2 =	sadd.s32 s3, s2  }
0x8d: {  	s2 =	sadd.s32 s2, s17  }
0x8e: {  	[smem:$0x3FC2] =	sst s2  }
0x8f: {  	_ = 	snop  }
0x90: {  	s2 =	sld [smem:$0x3FC9]  }
0x91: {  	s18 =	sld [smem:$0x3FC8]  }
0x92: {  	s4 =	sld [smem:$0x3FD0];
	(tm) =	ssettm $0x1  }
0x93: {  	s5 =	sld [smem:$0x3FFB];
	_ =	sdelay $0x3  }
0x94: {  	_ =	strace s5  }
0x95: {  	s5 =	sld [smem:$0x3FFC];
	_ =	sdelay $0x3  }
0x96: {  	_ =	strace s5  }
0x97: {  	s5 =	sld [smem:$0x3FFD];
	_ =	sdelay $0x3  }
0x98: {  	_ =	strace s5  }
0x99: {  	_ =	strace $0x8FFFFFFF  }
0x9a: {  	s19 =	sld [smem:$0x3FDB];
	_ =	sdelay $0x1  }
0x9b: {  	s6 =	simm.s32 $_scs_section_size  }
0x9c: {  	s7 =	simm.s32 $_size__tile_overlayer_lowered;
	s8 =	simm.s32 $_tile_overlayer_lowered  }
0x9d: {  	s22 =	simm.s32 $0x1BFF;
	s21 =	sshll.u32 s8, $0x1;
	s5 =	sadd.s32 s6, s19  }
0x9e: {  	s9 =	simm.s32 $0x0;
	s20 =	sshll.u32 s7, $0x1;
	s7 =	sadd.s32 s21, s5  }
0x9f: {  	[timem:s9], [sflag:s22] =	dma.local [hbm:s7], s20  }
0xa0: {  	_ =	swait.ge [sflag:s22], s20  }
0xa1: {  	s6 =	ssub.s32 $0x0, s20;
	[sflag:s22] =	ssyncset.done $0x0  }
0xa2: {  	[sflag:s22] =	ssyncadd.s32 s6;
	_ =	sdelay $0x1  }
0xa3: {  	s23 =	simm.s32 $0x1B8B  }
0xa4: {  	_ =	swait.ge [sflag:s23], $0x1  }
0xa5: {  	[sflag:s23] =	ssyncset.done $0x0  }
0xa6: {  	s25 =	simm.s32 $0x1B8E;
	s24 =	sld [smem:$0x3FFE];
	[sflag:s23] =	ssyncadd.s32 $0xFFFFFFFF  }
0xa7: {  	s26 =	simm.s32 $execute0_lowered;
	[smem:$0x3FD2] =	sst s25  }
0xa8: {  	s7 =	sshll.u32 s26, $0x1;
	_ =	strace $0x80000046;
	[dreg:$0x1] =	wrdreg $0xFFFFFFFF  }
0xa9: {  	s28 =	simm.s32 $_size_execute0_lowered;
	s5 =	sadd.s32 s5, s7;
	[dreg:$0x0] =	wrdreg $0x0  }
0xaa: {  	s7 =	sshll.u32 s28, $0x1;
	[dreg:$0x2] =	wrdreg s5  }
0xab: {  	[dreg:$0x3] =	wrdreg s7  }
0xac: {  	[dreg:$0x4] =	wrdreg $0xC0  }
0xad: {  	_ =	task [dreg:s9], $0x5FFFF  }
0xae: {  	[dreg:$0x1] =	wrdreg $0xFFFFFFFF  }
0xaf: {  	[dreg:$0x0] =	wrdreg $0x60  }
0xb0: {  	[dreg:$0x2] =	wrdreg s24  }
0xb1: {  	[dreg:$0x3] =	wrdreg s2  }
0xb2: {  	[dreg:$0x4] =	wrdreg s18  }
0xb3: {  	[dreg:$0x5] =	wrdreg s4  }
0xb4: {  	[dreg:$0x6] =	wrdreg $0x9  }
0xb5: {  	_ =	task.clear_ibuf [dreg:s9], $0x7FFFF;
	_ =	strace $0x90000046  }
0xb6: {  	s29 =	simm.s32 $0x9;
	_ =	strace $0x80000048  }
0xb7: {  	_ =	swait.ge [sflag:s29], $0x1  }
0xb8: {  	[sflag:s29] =	ssyncadd.s32 $0xFFFFFFFF  }
0xb9: {  	_ =	strace $0x90000048  }
0xba: {  	_ =	sfence  }
0xbb: {  	s30 =	sld [smem:$0x0];
	_ =	sdelay $0x2  }
0xbc: {  	s31 =	sshll.u32 s1, $0xD;
	s1 =	sshrl.u32 s1, $0x2  }
0xbd: {  	s3 =	sand.u32 $0x4000, s31;
	s1 =	sadd.s32 s1, s30  }
0xbe: {  	s0 =	sor.u32 s3, s0;
	s1 =	sshll.u32 s1, $0x11  }
0xbf: {  	s0 =	sor.u32 s1, s0  }
0xc0: {  	s0 =	sadd.s32 $0x8F2B, s0  }
0xc1: {  	[sflag:s0] =	ssyncadd.remote.s32 $0x1  }
0xc2: {  	_ =	sfence.sel $0xFFFF  }
0xc3: {  	[dreg:$0x0] =	wrdreg $0xFFFFFFFF;
	(pc) =	sbr.abs _section_cstart, $3  }
0xc4: {  	[dreg:$0x1] =	wrdreg $0xFFFFFFFF  }
0xc5: {  	_ =	task.clear_ibuf [dreg:s9], $0x2FFFF;
	_ =	strace $0x9FFFFFFF  }
0xc6: {  	(tm) =	ssettm $0x7FFFFFFF  }
0xc7: {  	_ =	shalt  }
tec
execute0_lowered:
.L_overlay_start_1:
0x0: {  	(tag) =	ssettag $0x1  }
0x1: {  	s0 =	rddreg [dreg:$0x0]  }
0x2: {  	s1 =	rddreg [dreg:$0x1]  }
0x3: {  	s12 =	rddreg [dreg:$0x2]  }
0x4: {  	s13 =	rddreg [dreg:$0x3];
	s2 =	simm.s32 $0x0  }
0x5: {  	s3 =	srdreg.scid;
	s4 =	stileid.u32;
	s15 =	simm.s32 $0x4  }
0x6: {  	s19 =	simm.s32 $0x800;
	s20 =	simm.s32 $0xA00;
	s21 =	simm.s32 $0x80  }
0x7: {  	s23 =	simm.s32 $0x1200;
	s24 =	simm.s32 $0x9200;
	s25 =	simm.s32 $0x3  }
0x8: {  	s29 =	simm.s32 $0xD200;
	s30 =	simm.s32 $0x1;
	s28 =	simm.s32 $0x0  }
0x9: {  	[smem:$0x7FF] =	sst s2;
	s5 =	sand.u32 $0x1, s3;
	s3 =	sadd.s32 $0xF43000, s0  }
0xa: {  	s6 =	sshll.u32 s4, $0x7;
	s4 =	sadd.s32 $0x1313A00, s0;
	_ =	strace $0x80000047  }
0xb: {  	s7 =	sshll.u32 s5, $0x6;
	s26 =	ssub.s32 $0x2, s5;
	s5 =	sadd.s32 $0xC00, s0  }
0xc: {  	s14 =	sor.u32 s7, s6;
	s8 =	sshrl.u32 s26, $0x1;
	s6 =	sadd.s32 $0x1F600, s0  }
0xd: {  	s10 =	sadd.s32 s14, s0;
	s31 =	ssub.s32 s26, s8;
	s11 =	sadd.s32 s1, s14  }
0xe: {  	s12 =	sadd.s32 s12, s14;
	s13 =	sadd.s32 s13, s14;
	s26 =	simm.s32 $0x5200  }
0xf: {  	v0 =	vlaneseq.u32;
	s1 =	simm.s32 $0x2;
	s7 =	sadd.s32 $0x3E000, s10;
	s8 =	sadd.s32 $0x3E800, s10  }
0x10: {  	v0 =	vmul.u32 $0x80, v0;
	s9 =	sadd.s32 $0x3F000, s10;
	s10 =	sadd.s32 $0x3F800, s10;
	s14 =	smax.u32 s31, $0x1  }
.LBB2_1:
0x11: {  	[tilespmem:s2], [sflag:$0x4] =	stream.linear.gather [hbm4b:s7+s2], $0x200, $0x38;
	[tilespmem:$0x11200] =	vst v63  }
0x12: {  	_ =	swait.ge [sflag:s15], $0x200  }
0x13: {  	[sflag:s15] =	ssyncset.done $0x0  }
0x14: {  	s0 =	simm.s32 $0x200;
	[sflag:s15] =	ssyncadd.s32 $0xFFFFFE00  }
0x15: {  	[tilespmem:s0], [sflag:$0x4] =	stream.linear.gather [hbm4b:s8+s2], $0x200, $0x38;
	[tilespmem:$0x11200] =	vst v63  }
0x16: {  	_ =	swait.ge [sflag:s15], $0x200  }
0x17: {  	[sflag:s15] =	ssyncset.done $0x0  }
0x18: {  	s16 =	simm.s32 $0x400;
	[sflag:s15] =	ssyncadd.s32 $0xFFFFFE00  }
0x19: {  	[tilespmem:s16], [sflag:$0x4] =	stream.linear.gather [hbm4b:s9+s2], $0x200, $0x38;
	[tilespmem:$0x11200] =	vst v63  }
0x1a: {  	_ =	swait.ge [sflag:s15], $0x200  }
0x1b: {  	[sflag:s15] =	ssyncset.done $0x0  }
0x1c: {  	s22 =	simm.s32 $0x600;
	[sflag:s15] =	ssyncadd.s32 $0xFFFFFE00  }
0x1d: {  	[tilespmem:s22], [sflag:$0x4] =	stream.linear.gather [hbm4b:s10+s2], $0x200, $0x38;
	[tilespmem:$0x11200] =	vst v63  }
0x1e: {  	_ =	swait.ge [sflag:s15], $0x200  }
0x1f: {  	[sflag:s15] =	ssyncset.done $0x0  }
0x20: {  	[sflag:s15] =	ssyncadd.s32 $0xFFFFFE00  }
0x21: {  	[tilespmem:s19], [sflag:$0x4] =	stream.linear.gather [hbm4b:s11+s2], $0x200, $0x38;
	[tilespmem:$0x11200] =	vst v63  }
0x22: {  	_ =	swait.ge [sflag:s15], $0x200  }
0x23: {  	[sflag:s15] =	ssyncset.done $0x0  }
0x24: {  	[sflag:s15] =	ssyncadd.s32 $0xFFFFFE00  }
0x25: {  	[tilespmem:s20], [sflag:$0x4] =	stream.linear.gather [hbm4b:s12+s2], $0x200, $0x38;
	[tilespmem:$0x11200] =	vst v63  }
0x26: {  	_ =	swait.ge [sflag:s15], $0x200  }
0x27: {  	[sflag:s15] =	ssyncset.done $0x0  }
0x28: {  	s17 =	simm.s32 $0xC00;
	[sflag:s15] =	ssyncadd.s32 $0xFFFFFE00  }
0x29: {  	[tilespmem:s17], [sflag:$0x3] =	stream.indirect.gather [hbm4b:s5+s21], $0x1, s19, s21, $0xb8;
	[tilespmem:$0x11200] =	vst v63  }
0x2a: {  	s18 =	simm.s32 $0xE00  }
0x2b: {  	[tilespmem:s18], [sflag:$0x3] =	stream.indirect.gather [hbm4b:s6+s21], $0x1, s20, s21, $0xb8;
	[tilespmem:$0x11200] =	vst v63  }
0x2c: {  	s22 =	simm.s32 $0x880;
	s17 =	simm.s32 $0xC80  }
0x2d: {  	[tilespmem:s17], [sflag:$0x3] =	stream.indirect.gather [hbm4b:s5+s21], $0x1, s22, s21, $0xb8;
	[tilespmem:$0x11200] =	vst v63  }
0x2e: {  	s18 =	simm.s32 $0xA80;
	s22 =	simm.s32 $0xE80  }
0x2f: {  	[tilespmem:s22], [sflag:$0x3] =	stream.indirect.gather [hbm4b:s6+s21], $0x1, s18, s21, $0xb8;
	[tilespmem:$0x11200] =	vst v63  }
0x30: {  	s18 =	simm.s32 $0x900;
	s22 =	simm.s32 $0xD00  }
0x31: {  	[tilespmem:s22], [sflag:$0x3] =	stream.indirect.gather [hbm4b:s5+s21], $0x1, s18, s21, $0xb8;
	[tilespmem:$0x11200] =	vst v63  }
0x32: {  	s18 =	simm.s32 $0xB00;
	s22 =	simm.s32 $0xF00  }
0x33: {  	[tilespmem:s22], [sflag:$0x3] =	stream.indirect.gather [hbm4b:s6+s21], $0x1, s18, s21, $0xb8;
	[tilespmem:$0x11200] =	vst v63  }
0x34: {  	s18 =	simm.s32 $0x980;
	s22 =	simm.s32 $0xD80  }
0x35: {  	[tilespmem:s22], [sflag:$0x3] =	stream.indirect.gather [hbm4b:s5+s21], $0x1, s18, s21, $0xb8;
	[tilespmem:$0x11200] =	vst v63  }
0x36: {  	s17 =	simm.s32 $0xB80;
	s18 =	simm.s32 $0xF80  }
0x37: {  	[tilespmem:s18], [sflag:$0x3] =	stream.indirect.gather [hbm4b:s6+s21], $0x1, s17, s21, $0xb8;
	[tilespmem:$0x11200] =	vst v63  }
0x38: {  	_ = 	snop  }
0x39: {  	[tilespmem:s23], [sflag:$0x1] =	stream.indirect.gather [hbm4b:s3+s21], $0x80, s2, s21, $0xb8;
	[tilespmem:$0x11200] =	vst v63  }
0x3a: {  	_ = 	snop  }
0x3b: {  	[tilespmem:s24], [sflag:$0x1] =	stream.indirect.gather [hbm4b:s4+s21], $0x80, s0, s21, $0xb8;
	[tilespmem:$0x11200] =	vst v63  }
0x3c: {  	_ =	swait.ge [sflag:s25], $0x80  }
0x3d: {  	[sflag:s25] =	ssyncset.done $0x0  }
0x3e: {  	[sflag:s25] =	ssyncadd.s32 $0xFFFFFF80  }
0x3f: {  	_ =	swait.ge [sflag:s25], $0x80  }
0x40: {  	[sflag:s25] =	ssyncset.done $0x0  }
0x41: {  	[sflag:s25] =	ssyncadd.s32 $0xFFFFFF80  }
0x42: {  	_ =	swait.ge [sflag:s25], $0x80  }
0x43: {  	[sflag:s25] =	ssyncset.done $0x0  }
0x44: {  	[sflag:s25] =	ssyncadd.s32 $0xFFFFFF80  }
0x45: {  	_ =	swait.ge [sflag:s25], $0x80  }
0x46: {  	[sflag:s25] =	ssyncset.done $0x0  }
0x47: {  	[sflag:s25] =	ssyncadd.s32 $0xFFFFFF80  }
0x48: {  	_ =	swait.ge [sflag:s25], $0x80  }
0x49: {  	[sflag:s25] =	ssyncset.done $0x0  }
0x4a: {  	[sflag:s25] =	ssyncadd.s32 $0xFFFFFF80  }
0x4b: {  	_ =	swait.ge [sflag:s25], $0x80  }
0x4c: {  	[sflag:s25] =	ssyncset.done $0x0  }
0x4d: {  	[sflag:s25] =	ssyncadd.s32 $0xFFFFFF80  }
0x4e: {  	_ =	swait.ge [sflag:s25], $0x80  }
0x4f: {  	[sflag:s25] =	ssyncset.done $0x0  }
0x50: {  	[sflag:s25] =	ssyncadd.s32 $0xFFFFFF80  }
0x51: {  	_ =	swait.ge [sflag:s25], $0x80  }
0x52: {  	[sflag:s25] =	ssyncset.done $0x0  }
0x53: {  	[sflag:s25] =	ssyncadd.s32 $0xFFFFFF80  }
0x54: {  	[tilespmem:s26], [sflag:$0x2] =	stream.indirect.gather [hbm4b:s3+s21], $0x80, s21, s21, $0xb8;
	[tilespmem:$0x11200] =	vst v63  }
0x55: {  	s22 =	simm.s32 $0x280  }
0x56: {  	[tilespmem:s29], [sflag:$0x2] =	stream.indirect.gather [hbm4b:s4+s21], $0x80, s22, s21, $0xb8;
	[tilespmem:$0x11200] =	vst v63  }
0x57: {  	_ =	swait.ge [sflag:s30], $0x4000  }
0x58: {  	[sflag:s30] =	ssyncset.done $0x0  }
0x59: {  	[sflag:s30] =	ssyncadd.s32 $0xFFFFC000  }
0x5a: {  	_ =	swait.ge [sflag:s30], $0x4000  }
0x5b: {  	[sflag:s30] =	ssyncset.done $0x0  }
0x5c: {  	s31 =	simm.s32 $0x0;
	[sflag:s30] =	ssyncadd.s32 $0xFFFFC000  }
.LBB2_2:
0x5d: {  	s0 =	sshll.u32 s31, $0x4  }
0x5e: {  	v1 =	vld [tilespmem:s0+$0x400]  }
0x5f: {  	v2 =	vld [tilespmem:s0+$0x600];
	_ =	sdelay $0x2  }
0x60: {  	v3 =	vmov s0  }
0x61: {  	v3 =	vshll.u32 v3, $0x7;
	v1 =	vshll.u32 v1, $0x5  }
0x62: {  	v3 =	vor.u32 v0, v3;
	v2 =	vshll.u32 v2, $0x5;
	v4 =	vand.u32 $0xFFFFFF80, v1  }
0x63: {  	v1 =	vand.u32 $0x60, v1;
	v5 =	vand.u32 $0xFFFFFF80, v2;
	v4 =	vadd.s32 v3, v4  }
0x64: {  	s16 =	simm.s32 $0x0;
	v2 =	vand.u32 $0x60, v2;
	v3 =	vadd.s32 v3, v5;
	v1 =	vor.u32 v1, v4  }
0x65: {  	v2 =	vor.u32 v2, v3;
	v3 =	vor.u32 s16, v1  }
0x66: {  	s17 =	simm.s32 $0x1;
	v4 =	vor.u32 s16, v2  }
0x67: {  	v5 =	vor.u32 s17, v1  }
0x68: {  	s18 =	simm.s32 $0x2;
	v6 =	vld [tilespmem:s0+$0xC00];
	v7 =	vor.u32 s17, v2  }
0x69: {  	v8 =	vld [tilespmem:s0+$0xE00];
	v9 =	vor.u32 s18, v1  }
0x6a: {  	s22 =	simm.s32 $0x3;
	v10 =	vor.u32 s18, v2;
	v3 =	vld.idx.msk [tilespmem:v3+s23+$0x0], $0xffff  }
0x6b: {  	v11 =	vor.u32 s22, v1;
	v4 =	vld.idx.msk [tilespmem:v4+s24+$0x0], $0xffff  }
0x6c: {  	s17 =	simm.s32 $0x4;
	v13 =	vor.u32 s22, v2;
	v12 =	vld.idx.msk [tilespmem:v5+s23+$0x0], $0xffff  }
0x6d: {  	v15 =	vor.u32 s17, v2;
	v7 =	vld.idx.msk [tilespmem:v7+s24+$0x0], $0xffff  }
0x6e: {  	v14 =	vor.u32 s17, v1;
	s17 =	simm.s32 $0x5;
	v16 =	vld.idx.msk [tilespmem:v9+s23+$0x0], $0xffff  }
0x6f: {  	v18 =	vor.u32 s17, v2;
	v10 =	vld.idx.msk [tilespmem:v10+s24+$0x0], $0xffff  }
0x70: {  	s18 =	simm.s32 $0x6;
	v17 =	vor.u32 s17, v1;
	v5 =	vld.idx.msk [tilespmem:v11+s23+$0x0], $0xffff  }
0x71: {  	v6 =	vadd.f32 v8, v6;
	v19 =	vor.u32 s18, v1;
	v9 =	vld.idx.msk [tilespmem:v13+s24+$0x0], $0xffff;
	v3 =	vmul.f32 v4, v3  }
0x72: {  	s22 =	simm.s32 $0x7;
	v13 =	vor.u32 s18, v2;
	v8 =	vld.idx.msk [tilespmem:v15+s24+$0x0], $0xffff  }
0x73: {  	v4 =	vld.idx.msk [tilespmem:v14+s23+$0x0], $0xffff;
	v15 =	vmul.f32 v7, v12;
	v14 =	vor.u32 s22, v1;
	v6 =	vadd.f32 v3, v6  }
0x74: {  	s17 =	simm.s32 $0x8;
	v12 =	vor.u32 s22, v2;
	v7 =	vld.idx.msk [tilespmem:v18+s24+$0x0], $0xffff  }
0x75: {  	v11 =	vor.u32 s17, v1;
	v16 =	vmul.f32 v10, v16;
	v3 =	vld.idx.msk [tilespmem:v17+s23+$0x0], $0xffff;
	v15 =	vadd.f32 v15, v6  }
0x76: {  	s18 =	simm.s32 $0xC;
	v10 =	vor.u32 s17, v2;
	s22 =	simm.s32 $0x9;
	v6 =	vld.idx.msk [tilespmem:v19+s23+$0x0], $0xffff  }
.LBB2_3:
0x77: {  	p0 =	sne.s32 s18, $0x1C;
	v17 =	vor.u32 s22, v1;
	v18 =	vld.idx.msk [tilespmem:v13+s24+$0x0], $0xffff;
	v13 =	vadd.f32 v16, v15;
	v15 =	vmul.f32 v9, v5  }
0x78: {  	v16 =	vor.u32 s22, v2;
	s16 =	sadd.s32 $0x2, s17;
	v5 =	vld.idx.msk [tilespmem:v14+s23+$0x0], $0xffff  }
0x79: {  	v19 =	vor.u32 s16, v1;
	v20 =	vmul.f32 v8, v4;
	v9 =	vld.idx.msk [tilespmem:v12+s24+$0x0], $0xffff;
	v12 =	vadd.f32 v15, v13  }
.Ltmp0:
0x7a: {  	v13 =	vor.u32 s16, v2;
	s16 =	sadd.s32 $0x3, s17;
	s17 =	smov.u32 s18;
	v4 =	vld.idx.msk [tilespmem:v11+s23+$0x0], $0xffff;
	(pc) =	sbr.rel @p0 .LBB2_3-.Ltmp0, $4  }
0x7b: {  	v14 =	vor.u32 s16, v1;
	v15 =	vmul.f32 v7, v3;
	v8 =	vld.idx.msk [tilespmem:v10+s24+$0x0], $0xffff;
	v10 =	vadd.f32 v20, v12  }
0x7c: {  	v12 =	vor.u32 s16, v2;
	v3 =	vld.idx.msk [tilespmem:v17+s23+$0x0], $0xffff  }
0x7d: {  	v11 =	vor.u32 s18, v1;
	v7 =	vld.idx.msk [tilespmem:v16+s24+$0x0], $0xffff;
	v15 =	vadd.f32 v15, v10;
	v16 =	vmul.f32 v18, v6  }
0x7e: {  	s22 =	sadd.s32 $0x1, s17;
	s18 =	sadd.s32 $0x4, s18;
	v10 =	vor.u32 s17, v2;
	v6 =	vld.idx.msk [tilespmem:v19+s23+$0x0], $0xffff  }
0x7f: {  	_ =	sdelay $0x2  }
0x80: {  	v15 =	vadd.f32 v16, v15;
	v5 =	vmul.f32 v9, v5  }
0x81: {  	v52 =	vor.u32 s22, v1;
	v13 =	vld.idx.msk [tilespmem:v13+s24+$0x0], $0xffff  }
0x82: {  	v53 =	vor.u32 s22, v2;
	s16 =	sadd.s32 $0x2, s17;
	v14 =	vld.idx.msk [tilespmem:v14+s23+$0x0], $0xffff;
	v4 =	vmul.f32 v8, v4;
	v5 =	vadd.f32 v5, v15  }
0x83: {  	v12 =	vld.idx.msk [tilespmem:v12+s24+$0x0], $0xffff;
	v54 =	vor.u32 s16, v1  }
0x84: {  	v11 =	vld.idx.msk [tilespmem:v11+s23+$0x0], $0xffff;
	s22 =	sadd.s32 $0x3, s17;
	v55 =	vor.u32 s16, v2;
	v3 =	vmul.f32 v7, v3;
	v4 =	vadd.f32 v4, v5  }
0x85: {  	v56 =	vld.idx.msk [tilespmem:v10+s24+$0x0], $0xffff;
	v1 =	vor.u32 s22, v1  }
0x86: {  	v2 =	vor.u32 s22, v2;
	v57 =	vld.idx.msk [tilespmem:v52+s23+$0x0], $0xffff;
	v58 =	vmul.f32 v13, v6;
	v3 =	vadd.f32 v3, v4  }
0x87: {  	v59 =	vld.idx.msk [tilespmem:v53+s24+$0x0], $0xffff  }
0x88: {  	v60 =	vmul.f32 v12, v14;
	v8 =	vld.idx.msk [tilespmem:v54+s23+$0x0], $0xffff;
	v3 =	vadd.f32 v58, v3  }
0x89: {  	v61 =	vld.idx.msk [tilespmem:v55+s24+$0x0], $0xffff  }
0x8a: {  	v5 =	vmul.f32 v56, v11;
	v1 =	vld.idx.msk [tilespmem:v1+s23+$0x0], $0xffff;
	v3 =	vadd.f32 v60, v3  }
0x8b: {  	v2 =	vld.idx.msk [tilespmem:v2+s24+$0x0], $0xffff  }
0x8c: {  	v62 =	vmul.f32 v59, v57;
	v3 =	vadd.f32 v5, v3;
	_ =	sdelay $0x1  }
0x8d: {  	s31 =	sadd.s32 $0x1, s31;
	v63 =	vmul.f32 v61, v8;
	v3 =	vadd.f32 v62, v3  }
0x8e: {  	p0 =	sne.s32 s31, $0x8  }
.Ltmp1:
0x8f: {  	v1 =	vmul.f32 v2, v1;
	v3 =	vadd.f32 v63, v3;
	(pc) =	sbr.rel @p0 .LBB2_2-.Ltmp1, $3  }
0x90: {  	_ = 	snop  }
0x91: {  	v1 =	vadd.f32 v1, v3;
	_ =	sdelay $0x1  }
0x92: {  	[tilespmem:s0+$0x1000] =	vst v1  }
0x93: {  	s0 =	simm.s32 $0x100  }
0x94: {  	[tilespmem:s23], [sflag:$0x1] =	stream.indirect.gather [hbm4b:s3+s21], $0x80, s0, s21, $0xb8;
	[tilespmem:$0x11200] =	vst v63  }
0x95: {  	s22 =	simm.s32 $0x300  }
0x96: {  	[tilespmem:s24], [sflag:$0x1] =	stream.indirect.gather [hbm4b:s4+s21], $0x80, s22, s21, $0xb8;
	[tilespmem:$0x11200] =	vst v63  }
0x97: {  	_ =	swait.ge [sflag:s1], $0x4000  }
0x98: {  	[sflag:s1] =	ssyncset.done $0x0  }
0x99: {  	[sflag:s1] =	ssyncadd.s32 $0xFFFFC000  }
0x9a: {  	_ =	swait.ge [sflag:s1], $0x4000  }
0x9b: {  	[sflag:s1] =	ssyncset.done $0x0  }
0x9c: {  	s31 =	simm.s32 $0x0;
	s0 =	simm.s32 $0x0;
	[sflag:s1] =	ssyncadd.s32 $0xFFFFC000  }
.LBB2_6:
0x9d: {  	s16 =	sshll.u32 s0, $0x4  }
0x9e: {  	v1 =	vld [tilespmem:s16+$0x480]  }
0x9f: {  	v2 =	vld [tilespmem:s16+$0x680];
	_ =	sdelay $0x2  }
0xa0: {  	v3 =	vmov s16  }
0xa1: {  	v3 =	vshll.u32 v3, $0x7;
	v1 =	vshll.u32 v1, $0x5  }
0xa2: {  	v3 =	vor.u32 v0, v3;
	v2 =	vshll.u32 v2, $0x5;
	v4 =	vand.u32 $0xFFFFFF80, v1  }
0xa3: {  	v1 =	vand.u32 $0x60, v1;
	v5 =	vand.u32 $0xFFFFFF80, v2;
	v4 =	vadd.s32 v3, v4  }
0xa4: {  	v2 =	vand.u32 $0x60, v2;
	v3 =	vadd.s32 v3, v5;
	v1 =	vor.u32 v1, v4  }
0xa5: {  	v2 =	vor.u32 v2, v3;
	v3 =	vor.u32 s31, v1  }
0xa6: {  	s17 =	simm.s32 $0x1;
	v4 =	vor.u32 s31, v2  }
0xa7: {  	v5 =	vor.u32 s17, v1  }
0xa8: {  	s18 =	simm.s32 $0x2;
	v6 =	vld [tilespmem:s16+$0xC80];
	v7 =	vor.u32 s17, v2  }
0xa9: {  	v8 =	vld [tilespmem:s16+$0xE80];
	v9 =	vor.u32 s18, v1  }
0xaa: {  	s22 =	simm.s32 $0x3;
	v10 =	vor.u32 s18, v2;
	v3 =	vld.idx.msk [tilespmem:v3+s26+$0x0], $0xffff  }
0xab: {  	v11 =	vor.u32 s22, v1;
	v4 =	vld.idx.msk [tilespmem:v4+s29+$0x0], $0xffff  }
0xac: {  	s18 =	simm.s32 $0x4;
	v13 =	vor.u32 s22, v2;
	v12 =	vld.idx.msk [tilespmem:v5+s26+$0x0], $0xffff  }
0xad: {  	v15 =	vor.u32 s18, v2;
	v7 =	vld.idx.msk [tilespmem:v7+s29+$0x0], $0xffff  }
0xae: {  	v14 =	vor.u32 s18, v1;
	s18 =	simm.s32 $0x5;
	v16 =	vld.idx.msk [tilespmem:v9+s26+$0x0], $0xffff  }
0xaf: {  	v17 =	vor.u32 s18, v1;
	v18 =	vld.idx.msk [tilespmem:v10+s29+$0x0], $0xffff  }
0xb0: {  	s22 =	simm.s32 $0x6;
	v19 =	vor.u32 s18, v2;
	v5 =	vld.idx.msk [tilespmem:v11+s26+$0x0], $0xffff  }
0xb1: {  	v6 =	vadd.f32 v8, v6;
	v20 =	vor.u32 s22, v1;
	v9 =	vld.idx.msk [tilespmem:v13+s29+$0x0], $0xffff;
	v3 =	vmul.f32 v4, v3  }
0xb2: {  	v13 =	vor.u32 s22, v2;
	s22 =	simm.s32 $0x7;
	v8 =	vld.idx.msk [tilespmem:v15+s29+$0x0], $0xffff  }
0xb3: {  	v4 =	vld.idx.msk [tilespmem:v14+s26+$0x0], $0xffff;
	v7 =	vmul.f32 v7, v12;
	v14 =	vor.u32 s22, v1;
	v11 =	vadd.f32 v3, v6  }
0xb4: {  	s18 =	simm.s32 $0x8;
	v12 =	vor.u32 s22, v2;
	v3 =	vld.idx.msk [tilespmem:v17+s26+$0x0], $0xffff  }
0xb5: {  	v10 =	vor.u32 s18, v1;
	v16 =	vmul.f32 v18, v16;
	v6 =	vld.idx.msk [tilespmem:v19+s29+$0x0], $0xffff;
	v15 =	vadd.f32 v7, v11  }
0xb6: {  	s17 =	sor.u32 $0x80, s16;
	s16 =	simm.s32 $0x9;
	s22 =	simm.s32 $0xC;
	v11 =	vor.u32 s18, v2;
	v7 =	vld.idx.msk [tilespmem:v20+s26+$0x0], $0xffff  }
.LBB2_7:
0xb7: {  	p0 =	sne.s32 s22, $0x1C;
	v17 =	vor.u32 s16, v1;
	v18 =	vld.idx.msk [tilespmem:v13+s29+$0x0], $0xffff;
	v13 =	vadd.f32 v16, v15;
	v15 =	vmul.f32 v9, v5  }
0xb8: {  	v16 =	vor.u32 s16, v2;
	s16 =	sadd.s32 $0x2, s18;
	v5 =	vld.idx.msk [tilespmem:v14+s26+$0x0], $0xffff  }
0xb9: {  	v19 =	vor.u32 s16, v1;
	v20 =	vmul.f32 v8, v4;
	v9 =	vld.idx.msk [tilespmem:v12+s29+$0x0], $0xffff;
	v12 =	vadd.f32 v15, v13  }
.Ltmp2:
0xba: {  	v13 =	vor.u32 s16, v2;
	s16 =	sadd.s32 $0x3, s18;
	s18 =	smov.u32 s22;
	v4 =	vld.idx.msk [tilespmem:v10+s26+$0x0], $0xffff;
	(pc) =	sbr.rel @p0 .LBB2_7-.Ltmp2, $4  }
0xbb: {  	v14 =	vor.u32 s16, v1;
	v15 =	vmul.f32 v6, v3;
	v8 =	vld.idx.msk [tilespmem:v11+s29+$0x0], $0xffff;
	v11 =	vadd.f32 v20, v12  }
0xbc: {  	v12 =	vor.u32 s16, v2;
	v3 =	vld.idx.msk [tilespmem:v17+s26+$0x0], $0xffff  }
0xbd: {  	v10 =	vor.u32 s22, v1;
	v6 =	vld.idx.msk [tilespmem:v16+s29+$0x0], $0xffff;
	v15 =	vadd.f32 v15, v11;
	v16 =	vmul.f32 v18, v7  }
0xbe: {  	s22 =	sadd.s32 $0x4, s22;
	s16 =	sadd.s32 $0x1, s18;
	v11 =	vor.u32 s18, v2;
	v7 =	vld.idx.msk [tilespmem:v19+s26+$0x0], $0xffff  }
0xbf: {  	_ =	sdelay $0x2  }
0xc0: {  	v15 =	vadd.f32 v16, v15;
	v5 =	vmul.f32 v9, v5  }
0xc1: {  	v52 =	vor.u32 s16, v1;
	v13 =	vld.idx.msk [tilespmem:v13+s29+$0x0], $0xffff  }
0xc2: {  	v53 =	vor.u32 s16, v2;
	s22 =	sadd.s32 $0x2, s18;
	v14 =	vld.idx.msk [tilespmem:v14+s26+$0x0], $0xffff;
	v4 =	vmul.f32 v8, v4;
	v5 =	vadd.f32 v5, v15  }
0xc3: {  	v12 =	vld.idx.msk [tilespmem:v12+s29+$0x0], $0xffff;
	v54 =	vor.u32 s22, v1  }
0xc4: {  	v10 =	vld.idx.msk [tilespmem:v10+s26+$0x0], $0xffff;
	v55 =	vor.u32 s22, v2;
	s22 =	sadd.s32 $0x3, s18;
	v3 =	vmul.f32 v6, v3;
	v4 =	vadd.f32 v4, v5  }
0xc5: {  	v56 =	vld.idx.msk [tilespmem:v11+s29+$0x0], $0xffff;
	v1 =	vor.u32 s22, v1  }
0xc6: {  	v2 =	vor.u32 s22, v2;
	v57 =	vld.idx.msk [tilespmem:v52+s26+$0x0], $0xffff;
	v58 =	vmul.f32 v13, v7;
	v3 =	vadd.f32 v3, v4  }
0xc7: {  	v59 =	vld.idx.msk [tilespmem:v53+s29+$0x0], $0xffff  }
0xc8: {  	v60 =	vmul.f32 v12, v14;
	v8 =	vld.idx.msk [tilespmem:v54+s26+$0x0], $0xffff;
	v3 =	vadd.f32 v58, v3  }
0xc9: {  	v61 =	vld.idx.msk [tilespmem:v55+s29+$0x0], $0xffff  }
0xca: {  	v5 =	vmul.f32 v56, v10;
	v1 =	vld.idx.msk [tilespmem:v1+s26+$0x0], $0xffff;
	v3 =	vadd.f32 v60, v3  }
0xcb: {  	v2 =	vld.idx.msk [tilespmem:v2+s29+$0x0], $0xffff  }
0xcc: {  	v62 =	vmul.f32 v59, v57;
	v3 =	vadd.f32 v5, v3;
	_ =	sdelay $0x1  }
0xcd: {  	s0 =	sadd.s32 $0x1, s0;
	v63 =	vmul.f32 v61, v8;
	v3 =	vadd.f32 v62, v3  }
0xce: {  	p0 =	sne.s32 s0, $0x8  }
.Ltmp3:
0xcf: {  	v1 =	vmul.f32 v2, v1;
	v3 =	vadd.f32 v63, v3;
	(pc) =	sbr.rel @p0 .LBB2_6-.Ltmp3, $3  }
0xd0: {  	_ = 	snop  }
0xd1: {  	v1 =	vadd.f32 v1, v3;
	_ =	sdelay $0x1  }
0xd2: {  	[tilespmem:s17+$0x1000] =	vst v1  }
0xd3: {  	s0 =	simm.s32 $0x180  }
0xd4: {  	[tilespmem:s26], [sflag:$0x2] =	stream.indirect.gather [hbm4b:s3+s21], $0x80, s0, s21, $0xb8;
	[tilespmem:$0x11200] =	vst v63  }
0xd5: {  	s22 =	simm.s32 $0x380  }
0xd6: {  	[tilespmem:s29], [sflag:$0x2] =	stream.indirect.gather [hbm4b:s4+s21], $0x80, s22, s21, $0xb8;
	[tilespmem:$0x11200] =	vst v63  }
0xd7: {  	_ =	swait.ge [sflag:s30], $0x4000  }
0xd8: {  	[sflag:s30] =	ssyncset.done $0x0  }
0xd9: {  	[sflag:s30] =	ssyncadd.s32 $0xFFFFC000  }
0xda: {  	_ =	swait.ge [sflag:s30], $0x4000  }
0xdb: {  	[sflag:s30] =	ssyncset.done $0x0  }
0xdc: {  	s31 =	simm.s32 $0x0;
	s0 =	simm.s32 $0x0;
	[sflag:s30] =	ssyncadd.s32 $0xFFFFC000  }
.LBB2_10:
0xdd: {  	s16 =	sshll.u32 s0, $0x4  }
0xde: {  	v1 =	vld [tilespmem:s16+$0x500]  }
0xdf: {  	v2 =	vld [tilespmem:s16+$0x700];
	_ =	sdelay $0x2  }
0xe0: {  	v3 =	vmov s16  }
0xe1: {  	v3 =	vshll.u32 v3, $0x7;
	v1 =	vshll.u32 v1, $0x5  }
0xe2: {  	v3 =	vor.u32 v0, v3;
	v2 =	vshll.u32 v2, $0x5;
	v4 =	vand.u32 $0xFFFFFF80, v1  }
0xe3: {  	v1 =	vand.u32 $0x60, v1;
	v5 =	vand.u32 $0xFFFFFF80, v2;
	v4 =	vadd.s32 v3, v4  }
0xe4: {  	v2 =	vand.u32 $0x60, v2;
	v3 =	vadd.s32 v3, v5;
	v1 =	vor.u32 v1, v4  }
0xe5: {  	v2 =	vor.u32 v2, v3;
	v3 =	vor.u32 s31, v1  }
0xe6: {  	s17 =	simm.s32 $0x1;
	v4 =	vor.u32 s31, v2  }
0xe7: {  	v5 =	vor.u32 s17, v1  }
0xe8: {  	s18 =	simm.s32 $0x2;
	v6 =	vld [tilespmem:s16+$0xD00];
	v7 =	vor.u32 s17, v2  }
0xe9: {  	v8 =	vld [tilespmem:s16+$0xF00];
	v9 =	vor.u32 s18, v1  }
0xea: {  	s22 =	simm.s32 $0x3;
	v10 =	vor.u32 s18, v2;
	v3 =	vld.idx.msk [tilespmem:v3+s23+$0x0], $0xffff  }
0xeb: {  	v11 =	vor.u32 s22, v1;
	v4 =	vld.idx.msk [tilespmem:v4+s24+$0x0], $0xffff  }
0xec: {  	s18 =	simm.s32 $0x4;
	v13 =	vor.u32 s22, v2;
	v12 =	vld.idx.msk [tilespmem:v5+s23+$0x0], $0xffff  }
0xed: {  	v15 =	vor.u32 s18, v2;
	v7 =	vld.idx.msk [tilespmem:v7+s24+$0x0], $0xffff  }
0xee: {  	v14 =	vor.u32 s18, v1;
	s18 =	simm.s32 $0x5;
	v16 =	vld.idx.msk [tilespmem:v9+s23+$0x0], $0xffff  }
0xef: {  	v17 =	vor.u32 s18, v1;
	v18 =	vld.idx.msk [tilespmem:v10+s24+$0x0], $0xffff  }
0xf0: {  	s22 =	simm.s32 $0x6;
	v19 =	vor.u32 s18, v2;
	v5 =	vld.idx.msk [tilespmem:v11+s23+$0x0], $0xffff  }
0xf1: {  	v6 =	vadd.f32 v8, v6;
	v20 =	vor.u32 s22, v1;
	v9 =	vld.idx.msk [tilespmem:v13+s24+$0x0], $0xffff;
	v3 =	vmul.f32 v4, v3  }
0xf2: {  	v13 =	vor.u32 s22, v2;
	s22 =	simm.s32 $0x7;
	v8 =	vld.idx.msk [tilespmem:v15+s24+$0x0], $0xffff  }
0xf3: {  	v4 =	vld.idx.msk [tilespmem:v14+s23+$0x0], $0xffff;
	v7 =	vmul.f32 v7, v12;
	v14 =	vor.u32 s22, v1;
	v11 =	vadd.f32 v3, v6  }
0xf4: {  	s18 =	simm.s32 $0x8;
	v12 =	vor.u32 s22, v2;
	v3 =	vld.idx.msk [tilespmem:v17+s23+$0x0], $0xffff  }
0xf5: {  	v10 =	vor.u32 s18, v1;
	v16 =	vmul.f32 v18, v16;
	v6 =	vld.idx.msk [tilespmem:v19+s24+$0x0], $0xffff;
	v15 =	vadd.f32 v7, v11  }
0xf6: {  	s17 =	sor.u32 $0x100, s16;
	s16 =	simm.s32 $0x9;
	s22 =	simm.s32 $0xC;
	v11 =	vor.u32 s18, v2;
	v7 =	vld.idx.msk [tilespmem:v20+s23+$0x0], $0xffff  }
.LBB2_11:
0xf7: {  	p0 =	sne.s32 s22, $0x1C;
	v17 =	vor.u32 s16, v1;
	v18 =	vld.idx.msk [tilespmem:v13+s24+$0x0], $0xffff;
	v13 =	vadd.f32 v16, v15;
	v15 =	vmul.f32 v9, v5  }
0xf8: {  	v16 =	vor.u32 s16, v2;
	s16 =	sadd.s32 $0x2, s18;
	v5 =	vld.idx.msk [tilespmem:v14+s23+$0x0], $0xffff  }
0xf9: {  	v19 =	vor.u32 s16, v1;
	v20 =	vmul.f32 v8, v4;
	v9 =	vld.idx.msk [tilespmem:v12+s24+$0x0], $0xffff;
	v12 =	vadd.f32 v15, v13  }
.Ltmp4:
0xfa: {  	v13 =	vor.u32 s16, v2;
	s16 =	sadd.s32 $0x3, s18;
	s18 =	smov.u32 s22;
	v4 =	vld.idx.msk [tilespmem:v10+s23+$0x0], $0xffff;
	(pc) =	sbr.rel @p0 .LBB2_11-.Ltmp4, $4  }
0xfb: {  	v14 =	vor.u32 s16, v1;
	v15 =	vmul.f32 v6, v3;
	v8 =	vld.idx.msk [tilespmem:v11+s24+$0x0], $0xffff;
	v11 =	vadd.f32 v20, v12  }
0xfc: {  	v12 =	vor.u32 s16, v2;
	v3 =	vld.idx.msk [tilespmem:v17+s23+$0x0], $0xffff  }
0xfd: {  	v10 =	vor.u32 s22, v1;
	v6 =	vld.idx.msk [tilespmem:v16+s24+$0x0], $0xffff;
	v15 =	vadd.f32 v15, v11;
	v16 =	vmul.f32 v18, v7  }
0xfe: {  	s22 =	sadd.s32 $0x4, s22;
	s16 =	sadd.s32 $0x1, s18;
	v11 =	vor.u32 s18, v2;
	v7 =	vld.idx.msk [tilespmem:v19+s23+$0x0], $0xffff  }
0xff: {  	_ =	sdelay $0x2  }
0x100: {  	v15 =	vadd.f32 v16, v15;
	v5 =	vmul.f32 v9, v5  }
0x101: {  	v52 =	vor.u32 s16, v1;
	v13 =	vld.idx.msk [tilespmem:v13+s24+$0x0], $0xffff  }
0x102: {  	v53 =	vor.u32 s16, v2;
	s22 =	sadd.s32 $0x2, s18;
	v14 =	vld.idx.msk [tilespmem:v14+s23+$0x0], $0xffff;
	v4 =	vmul.f32 v8, v4;
	v5 =	vadd.f32 v5, v15  }
0x103: {  	v12 =	vld.idx.msk [tilespmem:v12+s24+$0x0], $0xffff;
	v54 =	vor.u32 s22, v1  }
0x104: {  	v10 =	vld.idx.msk [tilespmem:v10+s23+$0x0], $0xffff;
	v55 =	vor.u32 s22, v2;
	s22 =	sadd.s32 $0x3, s18;
	v3 =	vmul.f32 v6, v3;
	v4 =	vadd.f32 v4, v5  }
0x105: {  	v56 =	vld.idx.msk [tilespmem:v11+s24+$0x0], $0xffff;
	v1 =	vor.u32 s22, v1  }
0x106: {  	v2 =	vor.u32 s22, v2;
	v57 =	vld.idx.msk [tilespmem:v52+s23+$0x0], $0xffff;
	v58 =	vmul.f32 v13, v7;
	v3 =	vadd.f32 v3, v4  }
0x107: {  	v59 =	vld.idx.msk [tilespmem:v53+s24+$0x0], $0xffff  }
0x108: {  	v60 =	vmul.f32 v12, v14;
	v8 =	vld.idx.msk [tilespmem:v54+s23+$0x0], $0xffff;
	v3 =	vadd.f32 v58, v3  }
0x109: {  	v61 =	vld.idx.msk [tilespmem:v55+s24+$0x0], $0xffff  }
0x10a: {  	v5 =	vmul.f32 v56, v10;
	v1 =	vld.idx.msk [tilespmem:v1+s23+$0x0], $0xffff;
	v3 =	vadd.f32 v60, v3  }
0x10b: {  	v2 =	vld.idx.msk [tilespmem:v2+s24+$0x0], $0xffff  }
0x10c: {  	v62 =	vmul.f32 v59, v57;
	v3 =	vadd.f32 v5, v3;
	_ =	sdelay $0x1  }
0x10d: {  	s0 =	sadd.s32 $0x1, s0;
	v63 =	vmul.f32 v61, v8;
	v3 =	vadd.f32 v62, v3  }
0x10e: {  	p0 =	sne.s32 s0, $0x8  }
.Ltmp5:
0x10f: {  	v1 =	vmul.f32 v2, v1;
	v3 =	vadd.f32 v63, v3;
	(pc) =	sbr.rel @p0 .LBB2_10-.Ltmp5, $3  }
0x110: {  	_ = 	snop  }
0x111: {  	v1 =	vadd.f32 v1, v3;
	_ =	sdelay $0x1  }
0x112: {  	[tilespmem:s17+$0x1000] =	vst v1  }
0x113: {  	_ =	swait.ge [sflag:s1], $0x4000  }
0x114: {  	[sflag:s1] =	ssyncset.done $0x0  }
0x115: {  	[sflag:s1] =	ssyncadd.s32 $0xFFFFC000  }
0x116: {  	_ =	swait.ge [sflag:s1], $0x4000  }
0x117: {  	[sflag:s1] =	ssyncset.done $0x0  }
0x118: {  	s31 =	simm.s32 $0x0;
	s0 =	simm.s32 $0x0;
	[sflag:s1] =	ssyncadd.s32 $0xFFFFC000  }
.LBB2_14:
0x119: {  	s16 =	sshll.u32 s0, $0x4  }
0x11a: {  	v1 =	vld [tilespmem:s16+$0x580]  }
0x11b: {  	v2 =	vld [tilespmem:s16+$0x780];
	_ =	sdelay $0x2  }
0x11c: {  	v3 =	vmov s16  }
0x11d: {  	v3 =	vshll.u32 v3, $0x7;
	v1 =	vshll.u32 v1, $0x5  }
0x11e: {  	v3 =	vor.u32 v0, v3;
	v2 =	vshll.u32 v2, $0x5;
	v4 =	vand.u32 $0xFFFFFF80, v1  }
0x11f: {  	v1 =	vand.u32 $0x60, v1;
	v5 =	vand.u32 $0xFFFFFF80, v2;
	v4 =	vadd.s32 v3, v4  }
0x120: {  	v2 =	vand.u32 $0x60, v2;
	v3 =	vadd.s32 v3, v5;
	v1 =	vor.u32 v1, v4  }
0x121: {  	v2 =	vor.u32 v2, v3;
	v3 =	vor.u32 s31, v1  }
0x122: {  	s17 =	simm.s32 $0x1;
	v4 =	vor.u32 s31, v2  }
0x123: {  	v5 =	vor.u32 s17, v1  }
0x124: {  	s18 =	simm.s32 $0x2;
	v6 =	vld [tilespmem:s16+$0xD80];
	v7 =	vor.u32 s17, v2  }
0x125: {  	v8 =	vld [tilespmem:s16+$0xF80];
	v9 =	vor.u32 s18, v1  }
0x126: {  	s22 =	simm.s32 $0x3;
	v10 =	vor.u32 s18, v2;
	v3 =	vld.idx.msk [tilespmem:v3+s26+$0x0], $0xffff  }
0x127: {  	v11 =	vor.u32 s22, v1;
	v4 =	vld.idx.msk [tilespmem:v4+s29+$0x0], $0xffff  }
0x128: {  	s18 =	simm.s32 $0x4;
	v13 =	vor.u32 s22, v2;
	v12 =	vld.idx.msk [tilespmem:v5+s26+$0x0], $0xffff  }
0x129: {  	v15 =	vor.u32 s18, v2;
	v7 =	vld.idx.msk [tilespmem:v7+s29+$0x0], $0xffff  }
0x12a: {  	v14 =	vor.u32 s18, v1;
	s18 =	simm.s32 $0x5;
	v16 =	vld.idx.msk [tilespmem:v9+s26+$0x0], $0xffff  }
0x12b: {  	v17 =	vor.u32 s18, v1;
	v18 =	vld.idx.msk [tilespmem:v10+s29+$0x0], $0xffff  }
0x12c: {  	s22 =	simm.s32 $0x6;
	v19 =	vor.u32 s18, v2;
	v5 =	vld.idx.msk [tilespmem:v11+s26+$0x0], $0xffff  }
0x12d: {  	v6 =	vadd.f32 v8, v6;
	v20 =	vor.u32 s22, v1;
	v9 =	vld.idx.msk [tilespmem:v13+s29+$0x0], $0xffff;
	v3 =	vmul.f32 v4, v3  }
0x12e: {  	v13 =	vor.u32 s22, v2;
	s22 =	simm.s32 $0x7;
	v8 =	vld.idx.msk [tilespmem:v15+s29+$0x0], $0xffff  }
0x12f: {  	v4 =	vld.idx.msk [tilespmem:v14+s26+$0x0], $0xffff;
	v7 =	vmul.f32 v7, v12;
	v14 =	vor.u32 s22, v1;
	v11 =	vadd.f32 v3, v6  }
0x130: {  	s18 =	simm.s32 $0x8;
	v12 =	vor.u32 s22, v2;
	v3 =	vld.idx.msk [tilespmem:v17+s26+$0x0], $0xffff  }
0x131: {  	v10 =	vor.u32 s18, v1;
	v16 =	vmul.f32 v18, v16;
	v6 =	vld.idx.msk [tilespmem:v19+s29+$0x0], $0xffff;
	v15 =	vadd.f32 v7, v11  }
0x132: {  	s17 =	sor.u32 $0x180, s16;
	s16 =	simm.s32 $0x9;
	s22 =	simm.s32 $0xC;
	v11 =	vor.u32 s18, v2;
	v7 =	vld.idx.msk [tilespmem:v20+s26+$0x0], $0xffff  }
.LBB2_15:
0x133: {  	p0 =	sne.s32 s22, $0x1C;
	v17 =	vor.u32 s16, v1;
	v18 =	vld.idx.msk [tilespmem:v13+s29+$0x0], $0xffff;
	v13 =	vadd.f32 v16, v15;
	v15 =	vmul.f32 v9, v5  }
0x134: {  	v16 =	vor.u32 s16, v2;
	s16 =	sadd.s32 $0x2, s18;
	v5 =	vld.idx.msk [tilespmem:v14+s26+$0x0], $0xffff  }
0x135: {  	v19 =	vor.u32 s16, v1;
	v20 =	vmul.f32 v8, v4;
	v9 =	vld.idx.msk [tilespmem:v12+s29+$0x0], $0xffff;
	v12 =	vadd.f32 v15, v13  }
.Ltmp6:
0x136: {  	v13 =	vor.u32 s16, v2;
	s16 =	sadd.s32 $0x3, s18;
	s18 =	smov.u32 s22;
	v4 =	vld.idx.msk [tilespmem:v10+s26+$0x0], $0xffff;
	(pc) =	sbr.rel @p0 .LBB2_15-.Ltmp6, $4  }
0x137: {  	v14 =	vor.u32 s16, v1;
	v15 =	vmul.f32 v6, v3;
	v8 =	vld.idx.msk [tilespmem:v11+s29+$0x0], $0xffff;
	v11 =	vadd.f32 v20, v12  }
0x138: {  	v12 =	vor.u32 s16, v2;
	v3 =	vld.idx.msk [tilespmem:v17+s26+$0x0], $0xffff  }
0x139: {  	v10 =	vor.u32 s22, v1;
	v6 =	vld.idx.msk [tilespmem:v16+s29+$0x0], $0xffff;
	v15 =	vadd.f32 v15, v11;
	v16 =	vmul.f32 v18, v7  }
0x13a: {  	s22 =	sadd.s32 $0x4, s22;
	s16 =	sadd.s32 $0x1, s18;
	v11 =	vor.u32 s18, v2;
	v7 =	vld.idx.msk [tilespmem:v19+s26+$0x0], $0xffff  }
0x13b: {  	_ =	sdelay $0x2  }
0x13c: {  	v15 =	vadd.f32 v16, v15;
	v5 =	vmul.f32 v9, v5  }
0x13d: {  	v52 =	vor.u32 s16, v1;
	v13 =	vld.idx.msk [tilespmem:v13+s29+$0x0], $0xffff  }
0x13e: {  	v53 =	vor.u32 s16, v2;
	s22 =	sadd.s32 $0x2, s18;
	v14 =	vld.idx.msk [tilespmem:v14+s26+$0x0], $0xffff;
	v4 =	vmul.f32 v8, v4;
	v5 =	vadd.f32 v5, v15  }
0x13f: {  	v12 =	vld.idx.msk [tilespmem:v12+s29+$0x0], $0xffff;
	v54 =	vor.u32 s22, v1  }
0x140: {  	v10 =	vld.idx.msk [tilespmem:v10+s26+$0x0], $0xffff;
	v55 =	vor.u32 s22, v2;
	s22 =	sadd.s32 $0x3, s18;
	v3 =	vmul.f32 v6, v3;
	v4 =	vadd.f32 v4, v5  }
0x141: {  	v56 =	vld.idx.msk [tilespmem:v11+s29+$0x0], $0xffff;
	v1 =	vor.u32 s22, v1  }
0x142: {  	v2 =	vor.u32 s22, v2;
	v57 =	vld.idx.msk [tilespmem:v52+s26+$0x0], $0xffff;
	v58 =	vmul.f32 v13, v7;
	v3 =	vadd.f32 v3, v4  }
0x143: {  	v59 =	vld.idx.msk [tilespmem:v53+s29+$0x0], $0xffff  }
0x144: {  	v60 =	vmul.f32 v12, v14;
	v8 =	vld.idx.msk [tilespmem:v54+s26+$0x0], $0xffff;
	v3 =	vadd.f32 v58, v3  }
0x145: {  	v61 =	vld.idx.msk [tilespmem:v55+s29+$0x0], $0xffff  }
0x146: {  	v5 =	vmul.f32 v56, v10;
	v1 =	vld.idx.msk [tilespmem:v1+s26+$0x0], $0xffff;
	v3 =	vadd.f32 v60, v3  }
0x147: {  	v2 =	vld.idx.msk [tilespmem:v2+s29+$0x0], $0xffff  }
0x148: {  	v62 =	vmul.f32 v59, v57;
	v3 =	vadd.f32 v5, v3;
	_ =	sdelay $0x1  }
0x149: {  	s0 =	sadd.s32 $0x1, s0;
	v63 =	vmul.f32 v61, v8;
	v3 =	vadd.f32 v62, v3  }
0x14a: {  	p0 =	sne.s32 s0, $0x8  }
.Ltmp7:
0x14b: {  	v1 =	vmul.f32 v2, v1;
	v3 =	vadd.f32 v63, v3;
	(pc) =	sbr.rel @p0 .LBB2_14-.Ltmp7, $3  }
0x14c: {  	_ = 	snop  }
0x14d: {  	v1 =	vadd.f32 v1, v3;
	_ =	sdelay $0x1  }
0x14e: {  	[tilespmem:s17+$0x1000] =	vst v1  }
0x14f: {  	s28 =	sadd.s32 $0x1, s28  }
0x150: {  	p0 =	sne.s32 s28, s14  }
.Ltmp8:
0x151: {  	s0 =	simm.s32 $0x1000;
	(pc) =	sbr.rel @p0 .LBB2_1-.Ltmp8, $4  }
0x152: {  	[hbm4b:s13+s2] =	stream.linear.scatter [tilespmem:s0], [sflag:$0x4], $0x200, $0x38;
	[tilespmem:$0x11200] =	vst v63  }
0x153: {  	_ =	swait.ge [sflag:s15], $0x200  }
0x154: {  	[sflag:s15] =	ssyncset.done $0x0  }
0x155: {  	[sflag:s15] =	ssyncadd.s32 $0xFFFFFE00  }
0x156: {  	_ =	sfence.sel $0x180000  }
0x157: {  	[bflag:$0x0] =	sbarrier.arrive $0xFFFF  }
0x158: {  	_ =	strace $0x90000047  }
0x159: {  	s0 =	stileid.u32;
	[bflag:$0x2] =	sbarrier.arrive $0xFFFF  }
0x15a: {  	p0 =	sne.s32 s0, $0x0;
	s0 =	rddreg [dreg:$0x4]  }
0x15b: {  	s0 =	sadd.s32 @!p0 $0x100000, s0  }
0x15c: {  	[sflag:s0] =	ssyncadd.tile.s32 @!p0 $0x1;
	_ =	shalt  }
.Lfunc_end2:
_tile_overlayer_lowered:
.L_overlay_start_2:
0x15d: {  	(tag) =	ssettag $0x2  }
0x15e: {  	s0 =	rddreg [dreg:$0x0];
	s2 =	stileid.u32  }
0x15f: {  	s1 =	rddreg [dreg:$0x1];
	p0 =	sne.s32 s2, $0x0  }
0x160: {  	s3 =	rddreg [dreg:$0x2];
	[bflag:$0x3] =	sbarrier.arrive $0xFFFF;
	s2 =	simm.s32 @!p0 $0x1C04  }
0x161: {  	[timem:s3], [sflag:s2] =	dma.local @!p0 [hbm:s0], s1  }
0x162: {  	s0 =	simm.s32 @!p0 $0x4  }
0x163: {  	_ =	swait.ge @!p0 [sflag:s0], s1  }
0x164: {  	s1 =	ssub.s32 @!p0 $0x0, s1;
	[sflag:s0] =	ssyncset.done @!p0 $0x0  }
0x165: {  	[sflag:s0] =	ssyncadd.s32 @!p0 s1  }
0x166: {  	[bflag:$0x3] =	sbarrier.arrive $0xFFFF  }
0x167: {  	_ =	shalt  }

</sc_bundles>
